<compile_context>
chip_gen: v7x
topology: tpu7x:2x2x1
jax: 0.10.2.dev20260603
libtpu: 0.0.44.dev20260713+nightly
codegen_flags: <defaults>
</compile_context>

<pallas_src>
import jax
import jax.numpy as jnp
from jax import lax
from jax.experimental import pallas as pl
from jax.experimental.pallas import tpu as pltpu
from jax.experimental.pallas import tpu_sc as plsc

NC = 2
NS = 16
NW = NC * NS
L = 16
B = 65536
BPW = B // NW
NVEC = BPW // L
NSIG = 1000
NPAD = 1024
BIG = 3.0e37


def _sigma_to_t_body(sigma_hbm, sigmas_hbm, out_hbm,
                     tab_v, q_v, o_v, sem_a, sem_b):
    wid = lax.axis_index("s") * NC + lax.axis_index("c")
    base = wid * BPW
    cp_tab = pltpu.async_copy(sigmas_hbm, tab_v.at[pl.ds(0, NSIG)], sem_a)
    cp_q = pltpu.async_copy(sigma_hbm.at[pl.ds(base, BPW)], q_v, sem_b)
    cp_tab.wait()
    cp_q.wait()

    def run_range(i0, i1):
        @plsc.parallel_loop(i0, i1, unroll=1)
        def step(i):
            q = q_v[pl.ds(i * L, L)]
            lo = jnp.zeros((L,), jnp.int32)
            hi = jnp.full((L,), NSIG, jnp.int32)
            for _ in range(10):
                mid = (lo + hi) >> 1
                v = plsc.load_gather(tab_v, [mid])
                pred = v < q
                lo = jnp.where(pred, mid + 1, lo)
                hi = jnp.where(pred, hi, mid)
            c = hi
            im = c - 1

            vb1 = plsc.load_gather(tab_v, [jnp.maximum(im, 0)])
            va1 = plsc.load_gather(tab_v, [c])
            db1 = jnp.where(im >= 0, q - vb1, BIG)
            da1 = jnp.where(c <= NSIG - 1, va1 - q, BIG)
            nb = db1 <= da1

            i3 = jnp.where(nb, im - 1, im + 2)
            v3 = plsc.load_gather(tab_v, [jnp.maximum(i3, 0)])
            bad3 = jnp.where(nb, im < 1, im > NSIG - 3)
            d3 = jnp.where(bad3, BIG, jnp.abs(v3 - q))
            d_o = jnp.where(nb, da1, db1)
            pick3 = jnp.where(nb, d3 <= d_o, d3 < d_o)

            w0 = jnp.clip((vb1 - q) / (vb1 - va1), 0.0, 1.0)
            w = jnp.where(pick3, jnp.where(nb, 0.0, 1.0), w0)
            t = (1.0 - w) * im.astype(jnp.float32) \
                + w * c.astype(jnp.float32)
            o_v[pl.ds(i * L, L)] = t

    run_range(0, NVEC)
    pltpu.sync_copy(o_v, out_hbm.at[pl.ds(base, BPW)])


@jax.jit
def kernel(sigma, sigmas):
    mesh = plsc.VectorSubcoreMesh(core_axis_name="c", subcore_axis_name="s")
    run = pl.kernel(
        _sigma_to_t_body,
        mesh=mesh,
        out_type=jax.ShapeDtypeStruct((B,), jnp.float32),
        scratch_types=[
            pltpu.VMEM((NPAD,), jnp.float32),
            pltpu.VMEM((BPW,), jnp.float32),
            pltpu.VMEM((BPW,), jnp.float32),
            pltpu.SemaphoreType.DMA,
            pltpu.SemaphoreType.DMA,
        ],
        compiler_params=pltpu.CompilerParams(needs_layout_passes=False),
    )
    return run(sigma, sigmas)

# --- scband reference (transcript-rebuilt; emitter-appended) ---
"""Pipeline reference for scband-discrete-schedule-77704548319759 (READ-ONLY COPY).

The authoritative reference and input builder live on the scoring server;
editing this copy changes nothing except your own understanding.
"""

import jax, jax.numpy as jnp
import numpy as np


def setup_inputs(seed: int = 0) -> dict:
    key = jax.random.key(seed)
    k1, k2 = jax.random.split(key)
    # Discrete noise schedule: 1000 strictly increasing positive sigmas (buffer param)
    sigmas = jnp.sort(jax.random.uniform(k1, (1000,), dtype=jnp.float32) * 80.0) + jnp.arange(1000, dtype=jnp.float32) * 1e-4
    # Continuous query sigmas in range
    sigma = jax.random.uniform(k2, (65536,), dtype=jnp.float32) * 80.0
    return {"sigma": sigma, "sigmas": sigmas}


def reference(sigma, sigmas):
    # DiscreteSchedule.sigma_to_t with quantize=False
    dists = jnp.abs(sigma - sigmas[:, None])  # [n_sigmas, B]
    # torch.topk(dists, k=2, largest=False) along dim 0
    _, idx = jax.lax.top_k(-dists.T, 2)  # [B, 2] indices of 2 smallest
    topk_indices = idx.T  # [2, B]
    sort_values = jnp.sort(topk_indices, axis=0)
    low_idx = sort_values[0]
    high_idx = sort_values[1]
    low = sigmas[low_idx]
    high = sigmas[high_idx]
    w = (low - sigma) / (low - high)
    w = jnp.clip(w, 0.0, 1.0)
    t = (1.0 - w) * low_idx.astype(jnp.float32) + w * high_idx.astype(jnp.float32)
    return t.reshape(sigma.shape)

if __name__ == "__main__":
    import jax
    _d = setup_inputs()
    print(jax.jit(kernel)(*tuple(_d.values())))

</pallas_src>

<mosaic_0001>
#map = affine_map<(d0, d1) -> (0)>
module attributes {stable_mosaic.version = 14 : i64} {
  func.func @_sigma_to_t_body(%arg0: i32, %arg1: i32, %arg2: memref<65536xf32, #tpu.memory_space<hbm>>, %arg3: memref<1000xf32, #tpu.memory_space<hbm>>, %arg4: memref<65536xf32, #tpu.memory_space<hbm>>, %arg5: memref<1024xf32, #tpu.memory_space<vmem>>, %arg6: memref<2048xf32, #tpu.memory_space<vmem>>, %arg7: memref<2048xf32, #tpu.memory_space<vmem>>, %arg8: memref<!tpu.dma_semaphore, #tpu.memory_space<semaphore_mem>>, %arg9: memref<!tpu.dma_semaphore, #tpu.memory_space<semaphore_mem>>) attributes {dimension_semantics = [#tpu.dimension_semantics<core_parallel>, #tpu.dimension_semantics<subcore_parallel>], iteration_bounds = array<i64: 2, 16>, scalar_prefetch = 0 : i64, scratch_operands = 5 : i64, tpu.core_type = #tpu.core_type<sc_vector_subcore>, window_params = [{transform_indices = #map}, {transform_indices = #map}, {transform_indices = #map}]} {
    %mul3A = arith.constant 2 : i32
    %mul3A_0 = arith.muli %arg1, %mul3A : i32
    %add3A = arith.addi %mul3A_0, %arg0 : i32
    %mul3A_1 = arith.constant 2048 : i32
    %mul3A_2 = arith.muli %add3A, %mul3A_1 : i32
    %dma_start3A = arith.constant 0 : i32
    %dma_start3A_3 = tpu.memref_slice %arg5[%dma_start3A] : memref<1024xf32, #tpu.memory_space<vmem>> -> memref<1000xf32, #tpu.memory_space<vmem>>
    %dma_start3A_4 = arith.constant 0 : i32
    %dma_start3A_5 = tpu.memref_slice %arg5[%dma_start3A_4] : memref<1024xf32, #tpu.memory_space<vmem>> -> memref<1000xf32, #tpu.memory_space<vmem>>
    tpu.enqueue_dma source(%arg3 : memref<1000xf32, #tpu.memory_space<hbm>>) target(%dma_start3A_5 : memref<1000xf32, #tpu.memory_space<vmem>>) target_semaphore(%arg8 : memref<!tpu.dma_semaphore, #tpu.memory_space<semaphore_mem>>)
    %dma_start3A_6 = tpu.memref_slice %arg2[%mul3A_2] : memref<65536xf32, #tpu.memory_space<hbm>> -> memref<2048xf32, #tpu.memory_space<hbm>>
    %dma_start3A_7 = tpu.memref_slice %arg2[%mul3A_2] : memref<65536xf32, #tpu.memory_space<hbm>> -> memref<2048xf32, #tpu.memory_space<hbm>>
    tpu.enqueue_dma source(%dma_start3A_7 : memref<2048xf32, #tpu.memory_space<hbm>>) target(%arg6 : memref<2048xf32, #tpu.memory_space<vmem>>) target_semaphore(%arg9 : memref<!tpu.dma_semaphore, #tpu.memory_space<semaphore_mem>>)
    %dma_wait3A = arith.constant 0 : i32
    %dma_wait3A_8 = tpu.memref_slice %arg5[%dma_wait3A] : memref<1024xf32, #tpu.memory_space<vmem>> -> memref<1000xf32, #tpu.memory_space<vmem>>
    %dma_wait3A_9 = arith.constant 0 : i32
    %dma_wait3A_10 = tpu.memref_slice %arg5[%dma_wait3A_9] : memref<1024xf32, #tpu.memory_space<vmem>> -> memref<1000xf32, #tpu.memory_space<vmem>>
    tpu.wait_dma2 semaphore(%arg8 : memref<!tpu.dma_semaphore, #tpu.memory_space<semaphore_mem>>) src(%arg3 : memref<1000xf32, #tpu.memory_space<hbm>>) dst(%dma_wait3A_10 : memref<1000xf32, #tpu.memory_space<vmem>>)
    %dma_wait3A_11 = tpu.memref_slice %arg2[%mul3A_2] : memref<65536xf32, #tpu.memory_space<hbm>> -> memref<2048xf32, #tpu.memory_space<hbm>>
    %dma_wait3A_12 = tpu.memref_slice %arg2[%mul3A_2] : memref<65536xf32, #tpu.memory_space<hbm>> -> memref<2048xf32, #tpu.memory_space<hbm>>
    tpu.wait_dma2 semaphore(%arg9 : memref<!tpu.dma_semaphore, #tpu.memory_space<semaphore_mem>>) src(%dma_wait3A_12 : memref<2048xf32, #tpu.memory_space<hbm>>) dst(%arg6 : memref<2048xf32, #tpu.memory_space<vmem>>)
    %parallel_loop3A = arith.constant 0 : i32
    %parallel_loop3A_13 = arith.constant 128 : i32
    %parallel_loop3A_14 = arith.constant 1 : i32
    scf.for %parallel_loop3A_15 = %parallel_loop3A to %parallel_loop3A_13 step %parallel_loop3A_14  : i32 {
      %parallel_loop3A_16 = arith.constant 16 : i32
      %parallel_loop3A_17 = arith.muli %parallel_loop3A_15, %parallel_loop3A_16 : i32
      %parallel_loop3A_18 = arith.index_cast %parallel_loop3A_17 : i32 to index
      %parallel_loop3A_19 = tpu.vector_load %arg6[%parallel_loop3A_18] {strides = array<i32>} : memref<2048xf32, #tpu.memory_space<vmem>>, vector<16xf32>,
      %parallel_loop3A_20 = arith.constant 0 : i32
      %parallel_loop3A_21 = vector.broadcast %parallel_loop3A_20 : i32 to vector<16xi32>
      %parallel_loop3A_22 = arith.constant 1000 : i32
      %parallel_loop3A_23 = vector.broadcast %parallel_loop3A_22 : i32 to vector<16xi32>
      %parallel_loop3A_24 = arith.addi %parallel_loop3A_21, %parallel_loop3A_23 : vector<16xi32>
      %parallel_loop3A_25 = arith.constant 1 : i32
      %parallel_loop3A_26 = vector.broadcast %parallel_loop3A_25 : i32 to vector<16xi32>
      %parallel_loop3A_27 = arith.shrsi %parallel_loop3A_24, %parallel_loop3A_26 : vector<16xi32>
      %parallel_loop3A_28 = tpu.vector_load_idx %arg5[%parallel_loop3A_27] : memref<1024xf32, #tpu.memory_space<vmem>>[vector<16xi32>], vector<16xf32>,
      %parallel_loop3A_29 = arith.cmpf olt, %parallel_loop3A_28, %parallel_loop3A_19 : vector<16xf32>
      %parallel_loop3A_30 = arith.constant 1 : i32
      %parallel_loop3A_31 = vector.broadcast %parallel_loop3A_30 : i32 to vector<16xi32>
      %parallel_loop3A_32 = arith.addi %parallel_loop3A_27, %parallel_loop3A_31 : vector<16xi32>
      %parallel_loop3A_33 = arith.select %parallel_loop3A_29, %parallel_loop3A_32, %parallel_loop3A_21 : vector<16xi1>, vector<16xi32>
      %parallel_loop3A_34 = arith.select %parallel_loop3A_29, %parallel_loop3A_23, %parallel_loop3A_27 : vector<16xi1>, vector<16xi32>
      %parallel_loop3A_35 = arith.addi %parallel_loop3A_33, %parallel_loop3A_34 : vector<16xi32>
      %parallel_loop3A_36 = arith.constant 1 : i32
      %parallel_loop3A_37 = vector.broadcast %parallel_loop3A_36 : i32 to vector<16xi32>
      %parallel_loop3A_38 = arith.shrsi %parallel_loop3A_35, %parallel_loop3A_37 : vector<16xi32>
      %parallel_loop3A_39 = tpu.vector_load_idx %arg5[%parallel_loop3A_38] : memref<1024xf32, #tpu.memory_space<vmem>>[vector<16xi32>], vector<16xf32>,
      %parallel_loop3A_40 = arith.cmpf olt, %parallel_loop3A_39, %parallel_loop3A_19 : vector<16xf32>
      %parallel_loop3A_41 = arith.constant 1 : i32
      %parallel_loop3A_42 = vector.broadcast %parallel_loop3A_41 : i32 to vector<16xi32>
      %parallel_loop3A_43 = arith.addi %parallel_loop3A_38, %parallel_loop3A_42 : vector<16xi32>
      %parallel_loop3A_44 = arith.select %parallel_loop3A_40, %parallel_loop3A_43, %parallel_loop3A_33 : vector<16xi1>, vector<16xi32>
      %parallel_loop3A_45 = arith.select %parallel_loop3A_40, %parallel_loop3A_34, %parallel_loop3A_38 : vector<16xi1>, vector<16xi32>
      %parallel_loop3A_46 = arith.addi %parallel_loop3A_44, %parallel_loop3A_45 : vector<16xi32>
      %parallel_loop3A_47 = arith.constant 1 : i32
      %parallel_loop3A_48 = vector.broadcast %parallel_loop3A_47 : i32 to vector<16xi32>
      %parallel_loop3A_49 = arith.shrsi %parallel_loop3A_46, %parallel_loop3A_48 : vector<16xi32>
      %parallel_loop3A_50 = tpu.vector_load_idx %arg5[%parallel_loop3A_49] : memref<1024xf32, #tpu.memory_space<vmem>>[vector<16xi32>], vector<16xf32>,
      %parallel_loop3A_51 = arith.cmpf olt, %parallel_loop3A_50, %parallel_loop3A_19 : vector<16xf32>
      %parallel_loop3A_52 = arith.constant 1 : i32
      %parallel_loop3A_53 = vector.broadcast %parallel_loop3A_52 : i32 to vector<16xi32>
      %parallel_loop3A_54 = arith.addi %parallel_loop3A_49, %parallel_loop3A_53 : vector<16xi32>
      %parallel_loop3A_55 = arith.select %parallel_loop3A_51, %parallel_loop3A_54, %parallel_loop3A_44 : vector<16xi1>, vector<16xi32>
      %parallel_loop3A_56 = arith.select %parallel_loop3A_51, %parallel_loop3A_45, %parallel_loop3A_49 : vector<16xi1>, vector<16xi32>
      %parallel_loop3A_57 = arith.addi %parallel_loop3A_55, %parallel_loop3A_56 : vector<16xi32>
      %parallel_loop3A_58 = arith.constant 1 : i32
      %parallel_loop3A_59 = vector.broadcast %parallel_loop3A_58 : i32 to vector<16xi32>
      %parallel_loop3A_60 = arith.shrsi %parallel_loop3A_57, %parallel_loop3A_59 : vector<16xi32>
      %parallel_loop3A_61 = tpu.vector_load_idx %arg5[%parallel_loop3A_60] : memref<1024xf32, #tpu.memory_space<vmem>>[vector<16xi32>], vector<16xf32>,
      %parallel_loop3A_62 = arith.cmpf olt, %parallel_loop3A_61, %parallel_loop3A_19 : vector<16xf32>
      %parallel_loop3A_63 = arith.constant 1 : i32
      %parallel_loop3A_64 = vector.broadcast %parallel_loop3A_63 : i32 to vector<16xi32>
      %parallel_loop3A_65 = arith.addi %parallel_loop3A_60, %parallel_loop3A_64 : vector<16xi32>
      %parallel_loop3A_66 = arith.select %parallel_loop3A_62, %parallel_loop3A_65, %parallel_loop3A_55 : vector<16xi1>, vector<16xi32>
      %parallel_loop3A_67 = arith.select %parallel_loop3A_62, %parallel_loop3A_56, %parallel_loop3A_60 : vector<16xi1>, vector<16xi32>
      %parallel_loop3A_68 = arith.addi %parallel_loop3A_66, %parallel_loop3A_67 : vector<16xi32>
      %parallel_loop3A_69 = arith.constant 1 : i32
      %parallel_loop3A_70 = vector.broadcast %parallel_loop3A_69 : i32 to vector<16xi32>
      %parallel_loop3A_71 = arith.shrsi %parallel_loop3A_68, %parallel_loop3A_70 : vector<16xi32>
      %parallel_loop3A_72 = tpu.vector_load_idx %arg5[%parallel_loop3A_71] : memref<1024xf32, #tpu.memory_space<vmem>>[vector<16xi32>], vector<16xf32>,
      %parallel_loop3A_73 = arith.cmpf olt, %parallel_loop3A_72, %parallel_loop3A_19 : vector<16xf32>
      %parallel_loop3A_74 = arith.constant 1 : i32
      %parallel_loop3A_75 = vector.broadcast %parallel_loop3A_74 : i32 to vector<16xi32>
      %parallel_loop3A_76 = arith.addi %parallel_loop3A_71, %parallel_loop3A_75 : vector<16xi32>
      %parallel_loop3A_77 = arith.select %parallel_loop3A_73, %parallel_loop3A_76, %parallel_loop3A_66 : vector<16xi1>, vector<16xi32>
      %parallel_loop3A_78 = arith.select %parallel_loop3A_73, %parallel_loop3A_67, %parallel_loop3A_71 : vector<16xi1>, vector<16xi32>
      %parallel_loop3A_79 = arith.addi %parallel_loop3A_77, %parallel_loop3A_78 : vector<16xi32>
      %parallel_loop3A_80 = arith.constant 1 : i32
      %parallel_loop3A_81 = vector.broadcast %parallel_loop3A_80 : i32 to vector<16xi32>
      %parallel_loop3A_82 = arith.shrsi %parallel_loop3A_79, %parallel_loop3A_81 : vector<16xi32>
      %parallel_loop3A_83 = tpu.vector_load_idx %arg5[%parallel_loop3A_82] : memref<1024xf32, #tpu.memory_space<vmem>>[vector<16xi32>], vector<16xf32>,
      %parallel_loop3A_84 = arith.cmpf olt, %parallel_loop3A_83, %parallel_loop3A_19 : vector<16xf32>
      %parallel_loop3A_85 = arith.constant 1 : i32
      %parallel_loop3A_86 = vector.broadcast %parallel_loop3A_85 : i32 to vector<16xi32>
      %parallel_loop3A_87 = arith.addi %parallel_loop3A_82, %parallel_loop3A_86 : vector<16xi32>
      %parallel_loop3A_88 = arith.select %parallel_loop3A_84, %parallel_loop3A_87, %parallel_loop3A_77 : vector<16xi1>, vector<16xi32>
      %parallel_loop3A_89 = arith.select %parallel_loop3A_84, %parallel_loop3A_78, %parallel_loop3A_82 : vector<16xi1>, vector<16xi32>
      %parallel_loop3A_90 = arith.addi %parallel_loop3A_88, %parallel_loop3A_89 : vector<16xi32>
      %parallel_loop3A_91 = arith.constant 1 : i32
      %parallel_loop3A_92 = vector.broadcast %parallel_loop3A_91 : i32 to vector<16xi32>
      %parallel_loop3A_93 = arith.shrsi %parallel_loop3A_90, %parallel_loop3A_92 : vector<16xi32>
      %parallel_loop3A_94 = tpu.vector_load_idx %arg5[%parallel_loop3A_93] : memref<1024xf32, #tpu.memory_space<vmem>>[vector<16xi32>], vector<16xf32>,
      %parallel_loop3A_95 = arith.cmpf olt, %parallel_loop3A_94, %parallel_loop3A_19 : vector<16xf32>
      %parallel_loop3A_96 = arith.constant 1 : i32
      %parallel_loop3A_97 = vector.broadcast %parallel_loop3A_96 : i32 to vector<16xi32>
      %parallel_loop3A_98 = arith.addi %parallel_loop3A_93, %parallel_loop3A_97 : vector<16xi32>
      %parallel_loop3A_99 = arith.select %parallel_loop3A_95, %parallel_loop3A_98, %parallel_loop3A_88 : vector<16xi1>, vector<16xi32>
      %parallel_loop3A_100 = arith.select %parallel_loop3A_95, %parallel_loop3A_89, %parallel_loop3A_93 : vector<16xi1>, vector<16xi32>
      %parallel_loop3A_101 = arith.addi %parallel_loop3A_99, %parallel_loop3A_100 : vector<16xi32>
      %parallel_loop3A_102 = arith.constant 1 : i32
      %parallel_loop3A_103 = vector.broadcast %parallel_loop3A_102 : i32 to vector<16xi32>
      %parallel_loop3A_104 = arith.shrsi %parallel_loop3A_101, %parallel_loop3A_103 : vector<16xi32>
      %parallel_loop3A_105 = tpu.vector_load_idx %arg5[%parallel_loop3A_104] : memref<1024xf32, #tpu.memory_space<vmem>>[vector<16xi32>], vector<16xf32>,
      %parallel_loop3A_106 = arith.cmpf olt, %parallel_loop3A_105, %parallel_loop3A_19 : vector<16xf32>
      %parallel_loop3A_107 = arith.constant 1 : i32
      %parallel_loop3A_108 = vector.broadcast %parallel_loop3A_107 : i32 to vector<16xi32>
      %parallel_loop3A_109 = arith.addi %parallel_loop3A_104, %parallel_loop3A_108 : vector<16xi32>
      %parallel_loop3A_110 = arith.select %parallel_loop3A_106, %parallel_loop3A_109, %parallel_loop3A_99 : vector<16xi1>, vector<16xi32>
      %parallel_loop3A_111 = arith.select %parallel_loop3A_106, %parallel_loop3A_100, %parallel_loop3A_104 : vector<16xi1>, vector<16xi32>
      %parallel_loop3A_112 = arith.addi %parallel_loop3A_110, %parallel_loop3A_111 : vector<16xi32>
      %parallel_loop3A_113 = arith.constant 1 : i32
      %parallel_loop3A_114 = vector.broadcast %parallel_loop3A_113 : i32 to vector<16xi32>
      %parallel_loop3A_115 = arith.shrsi %parallel_loop3A_112, %parallel_loop3A_114 : vector<16xi32>
      %parallel_loop3A_116 = tpu.vector_load_idx %arg5[%parallel_loop3A_115] : memref<1024xf32, #tpu.memory_space<vmem>>[vector<16xi32>], vector<16xf32>,
      %parallel_loop3A_117 = arith.cmpf olt, %parallel_loop3A_116, %parallel_loop3A_19 : vector<16xf32>
      %parallel_loop3A_118 = arith.constant 1 : i32
      %parallel_loop3A_119 = vector.broadcast %parallel_loop3A_118 : i32 to vector<16xi32>
      %parallel_loop3A_120 = arith.addi %parallel_loop3A_115, %parallel_loop3A_119 : vector<16xi32>
      %parallel_loop3A_121 = arith.select %parallel_loop3A_117, %parallel_loop3A_120, %parallel_loop3A_110 : vector<16xi1>, vector<16xi32>
      %parallel_loop3A_122 = arith.select %parallel_loop3A_117, %parallel_loop3A_111, %parallel_loop3A_115 : vector<16xi1>, vector<16xi32>
      %parallel_loop3A_123 = arith.addi %parallel_loop3A_121, %parallel_loop3A_122 : vector<16xi32>
      %parallel_loop3A_124 = arith.constant 1 : i32
      %parallel_loop3A_125 = vector.broadcast %parallel_loop3A_124 : i32 to vector<16xi32>
      %parallel_loop3A_126 = arith.shrsi %parallel_loop3A_123, %parallel_loop3A_125 : vector<16xi32>
      %parallel_loop3A_127 = tpu.vector_load_idx %arg5[%parallel_loop3A_126] : memref<1024xf32, #tpu.memory_space<vmem>>[vector<16xi32>], vector<16xf32>,
      %parallel_loop3A_128 = arith.cmpf olt, %parallel_loop3A_127, %parallel_loop3A_19 : vector<16xf32>
      %parallel_loop3A_129 = arith.constant 1 : i32
      %parallel_loop3A_130 = vector.broadcast %parallel_loop3A_129 : i32 to vector<16xi32>
      %parallel_loop3A_131 = arith.addi %parallel_loop3A_126, %parallel_loop3A_130 : vector<16xi32>
      %parallel_loop3A_132 = arith.select %parallel_loop3A_128, %parallel_loop3A_131, %parallel_loop3A_121 : vector<16xi1>, vector<16xi32>
      %parallel_loop3A_133 = arith.select %parallel_loop3A_128, %parallel_loop3A_122, %parallel_loop3A_126 : vector<16xi1>, vector<16xi32>
      %parallel_loop3A_134 = arith.constant 1 : i32
      %parallel_loop3A_135 = vector.broadcast %parallel_loop3A_134 : i32 to vector<16xi32>
      %parallel_loop3A_136 = arith.subi %parallel_loop3A_133, %parallel_loop3A_135 : vector<16xi32>
      %parallel_loop3A_137 = arith.constant 0 : i32
      %parallel_loop3A_138 = vector.broadcast %parallel_loop3A_137 : i32 to vector<16xi32>
      %parallel_loop3A_139 = arith.maxsi %parallel_loop3A_136, %parallel_loop3A_138 : vector<16xi32>
      %parallel_loop3A_140 = tpu.vector_load_idx %arg5[%parallel_loop3A_139] : memref<1024xf32, #tpu.memory_space<vmem>>[vector<16xi32>], vector<16xf32>,
      %parallel_loop3A_141 = tpu.vector_load_idx %arg5[%parallel_loop3A_133] : memref<1024xf32, #tpu.memory_space<vmem>>[vector<16xi32>], vector<16xf32>,
      %parallel_loop3A_142 = arith.constant 0 : i32
      %parallel_loop3A_143 = vector.broadcast %parallel_loop3A_142 : i32 to vector<16xi32>
      %parallel_loop3A_144 = arith.cmpi sge, %parallel_loop3A_136, %parallel_loop3A_143 : vector<16xi32>
      %parallel_loop3A_145 = arith.subf %parallel_loop3A_19, %parallel_loop3A_140 : vector<16xf32>
      %parallel_loop3A_146 = arith.constant 3.000000e+37 : f32
      %parallel_loop3A_147 = vector.broadcast %parallel_loop3A_146 : f32 to vector<16xf32>
      %parallel_loop3A_148 = arith.select %parallel_loop3A_144, %parallel_loop3A_145, %parallel_loop3A_147 : vector<16xi1>, vector<16xf32>
      %parallel_loop3A_149 = arith.constant 999 : i32
      %parallel_loop3A_150 = vector.broadcast %parallel_loop3A_149 : i32 to vector<16xi32>
      %parallel_loop3A_151 = arith.cmpi sle, %parallel_loop3A_133, %parallel_loop3A_150 : vector<16xi32>
      %parallel_loop3A_152 = arith.subf %parallel_loop3A_141, %parallel_loop3A_19 : vector<16xf32>
      %parallel_loop3A_153 = arith.constant 3.000000e+37 : f32
      %parallel_loop3A_154 = vector.broadcast %parallel_loop3A_153 : f32 to vector<16xf32>
      %parallel_loop3A_155 = arith.select %parallel_loop3A_151, %parallel_loop3A_152, %parallel_loop3A_154 : vector<16xi1>, vector<16xf32>
      %parallel_loop3A_156 = arith.cmpf ole, %parallel_loop3A_148, %parallel_loop3A_155 : vector<16xf32>
      %parallel_loop3A_157 = arith.constant 1 : i32
      %parallel_loop3A_158 = vector.broadcast %parallel_loop3A_157 : i32 to vector<16xi32>
      %parallel_loop3A_159 = arith.subi %parallel_loop3A_136, %parallel_loop3A_158 : vector<16xi32>
      %parallel_loop3A_160 = arith.constant 2 : i32
      %parallel_loop3A_161 = vector.broadcast %parallel_loop3A_160 : i32 to vector<16xi32>
      %parallel_loop3A_162 = arith.addi %parallel_loop3A_136, %parallel_loop3A_161 : vector<16xi32>
      %parallel_loop3A_163 = arith.select %parallel_loop3A_156, %parallel_loop3A_159, %parallel_loop3A_162 : vector<16xi1>, vector<16xi32>
      %parallel_loop3A_164 = arith.constant 0 : i32
      %parallel_loop3A_165 = vector.broadcast %parallel_loop3A_164 : i32 to vector<16xi32>
      %parallel_loop3A_166 = arith.maxsi %parallel_loop3A_163, %parallel_loop3A_165 : vector<16xi32>
      %parallel_loop3A_167 = tpu.vector_load_idx %arg5[%parallel_loop3A_166] : memref<1024xf32, #tpu.memory_space<vmem>>[vector<16xi32>], vector<16xf32>,
      %parallel_loop3A_168 = arith.constant 1 : i32
      %parallel_loop3A_169 = vector.broadcast %parallel_loop3A_168 : i32 to vector<16xi32>
      %parallel_loop3A_170 = arith.cmpi slt, %parallel_loop3A_136, %parallel_loop3A_169 : vector<16xi32>
      %parallel_loop3A_171 = arith.constant 997 : i32
      %parallel_loop3A_172 = vector.broadcast %parallel_loop3A_171 : i32 to vector<16xi32>
      %parallel_loop3A_173 = arith.cmpi sgt, %parallel_loop3A_136, %parallel_loop3A_172 : vector<16xi32>
      %parallel_loop3A_174 = arith.select %parallel_loop3A_156, %parallel_loop3A_170, %parallel_loop3A_173 : vector<16xi1>, vector<16xi1>
      %parallel_loop3A_175 = arith.subf %parallel_loop3A_167, %parallel_loop3A_19 : vector<16xf32>
      %parallel_loop3A_176 = math.absf %parallel_loop3A_175 : vector<16xf32>
      %parallel_loop3A_177 = arith.constant 3.000000e+37 : f32
      %parallel_loop3A_178 = vector.broadcast %parallel_loop3A_177 : f32 to vector<16xf32>
      %parallel_loop3A_179 = arith.select %parallel_loop3A_174, %parallel_loop3A_178, %parallel_loop3A_176 : vector<16xi1>, vector<16xf32>
      %parallel_loop3A_180 = arith.select %parallel_loop3A_156, %parallel_loop3A_155, %parallel_loop3A_148 : vector<16xi1>, vector<16xf32>
      %parallel_loop3A_181 = arith.cmpf ole, %parallel_loop3A_179, %parallel_loop3A_180 : vector<16xf32>
      %parallel_loop3A_182 = arith.cmpf olt, %parallel_loop3A_179, %parallel_loop3A_180 : vector<16xf32>
      %parallel_loop3A_183 = arith.select %parallel_loop3A_156, %parallel_loop3A_181, %parallel_loop3A_182 : vector<16xi1>, vector<16xi1>
      %parallel_loop3A_184 = arith.subf %parallel_loop3A_140, %parallel_loop3A_19 : vector<16xf32>
      %parallel_loop3A_185 = arith.subf %parallel_loop3A_140, %parallel_loop3A_141 : vector<16xf32>
      %parallel_loop3A_186 = arith.divf %parallel_loop3A_184, %parallel_loop3A_185 : vector<16xf32>
      %parallel_loop3A_187 = arith.constant 0.000000e+00 : f32
      %parallel_loop3A_188 = arith.constant 1.000000e+00 : f32
      %parallel_loop3A_189 = vector.broadcast %parallel_loop3A_187 : f32 to vector<16xf32>
      %parallel_loop3A_190 = arith.maximumf %parallel_loop3A_189, %parallel_loop3A_186 : vector<16xf32>
      %parallel_loop3A_191 = vector.broadcast %parallel_loop3A_188 : f32 to vector<16xf32>
      %parallel_loop3A_192 = arith.minimumf %parallel_loop3A_191, %parallel_loop3A_190 : vector<16xf32>
      %parallel_loop3A_193 = arith.constant 0.000000e+00 : f32
      %parallel_loop3A_194 = arith.constant 1.000000e+00 : f32
      %parallel_loop3A_195 = vector.broadcast %parallel_loop3A_193 : f32 to vector<16xf32>
      %parallel_loop3A_196 = vector.broadcast %parallel_loop3A_194 : f32 to vector<16xf32>
      %parallel_loop3A_197 = arith.select %parallel_loop3A_156, %parallel_loop3A_195, %parallel_loop3A_196 : vector<16xi1>, vector<16xf32>
      %parallel_loop3A_198 = arith.select %parallel_loop3A_183, %parallel_loop3A_197, %parallel_loop3A_192 : vector<16xi1>, vector<16xf32>
      %parallel_loop3A_199 = arith.constant 1.000000e+00 : f32
      %parallel_loop3A_200 = vector.broadcast %parallel_loop3A_199 : f32 to vector<16xf32>
      %parallel_loop3A_201 = arith.subf %parallel_loop3A_200, %parallel_loop3A_198 : vector<16xf32>
      %parallel_loop3A_202 = arith.sitofp %parallel_loop3A_136 : vector<16xi32> to vector<16xf32>
      %parallel_loop3A_203 = arith.mulf %parallel_loop3A_201, %parallel_loop3A_202 : vector<16xf32>
      %parallel_loop3A_204 = arith.sitofp %parallel_loop3A_133 : vector<16xi32> to vector<16xf32>
      %parallel_loop3A_205 = arith.mulf %parallel_loop3A_198, %parallel_loop3A_204 : vector<16xf32>
      %parallel_loop3A_206 = arith.addf %parallel_loop3A_203, %parallel_loop3A_205 : vector<16xf32>
      %parallel_loop3A_207 = arith.constant 16 : i32
      %parallel_loop3A_208 = arith.muli %parallel_loop3A_15, %parallel_loop3A_207 : i32
      %parallel_loop3A_209 = arith.index_cast %parallel_loop3A_208 : i32 to index
      %parallel_loop3A_210 = tpu.vector_load %arg7[%parallel_loop3A_209] {strides = array<i32>} : memref<2048xf32, #tpu.memory_space<vmem>>, vector<16xf32>,
      tpu.vector_store %arg7[%parallel_loop3A_209], %parallel_loop3A_206 {strides = array<i32>} : memref<2048xf32, #tpu.memory_space<vmem>>, vector<16xf32>,
    } {sc.loop_unroll_factor = 1 : i64, sc.parallel_access}
    "tpu.region"() ({
      %run_scoped3A = tpu.sem_alloc : memref<!tpu.dma_semaphore, #tpu.memory_space<semaphore_mem>>
      %dma_start3A_15 = tpu.memref_slice %arg4[%mul3A_2] : memref<65536xf32, #tpu.memory_space<hbm>> -> memref<2048xf32, #tpu.memory_space<hbm>>
      %dma_start3A_16 = tpu.memref_slice %arg4[%mul3A_2] : memref<65536xf32, #tpu.memory_space<hbm>> -> memref<2048xf32, #tpu.memory_space<hbm>>
      tpu.enqueue_dma source(%arg7 : memref<2048xf32, #tpu.memory_space<vmem>>) target(%dma_start3A_16 : memref<2048xf32, #tpu.memory_space<hbm>>) target_semaphore(%run_scoped3A : memref<!tpu.dma_semaphore, #tpu.memory_space<semaphore_mem>>)
      %dma_wait3A_17 = tpu.memref_slice %arg4[%mul3A_2] : memref<65536xf32, #tpu.memory_space<hbm>> -> memref<2048xf32, #tpu.memory_space<hbm>>
      %dma_wait3A_18 = tpu.memref_slice %arg4[%mul3A_2] : memref<65536xf32, #tpu.memory_space<hbm>> -> memref<2048xf32, #tpu.memory_space<hbm>>
      tpu.wait_dma2 semaphore(%run_scoped3A : memref<!tpu.dma_semaphore, #tpu.memory_space<semaphore_mem>>) src(%arg7 : memref<2048xf32, #tpu.memory_space<vmem>>) dst(%dma_wait3A_18 : memref<2048xf32, #tpu.memory_space<hbm>>)
      tpu.yield
    }) : () -> ()
    return
  }
}

</mosaic_0001>

<sc_bundles>
// kernel: kernel.3.cloned.1.call-start
scs
__scs_entry_jumppad:
0x0: {  	(pc) =	sbr.rel $0x88, $3  }
0x1: {  	(tag) =	ssettag $0x0;
	lr =	simm.s32 $0x1  }
0x2: {  	[smem:$0x3F9F] =	sst lr;
	_ =	strace $0xD0000000  }
0x3: {  	_ = 	snop  }
0x4: {  	_ = 	snop  }
0x5: {  	_ = 	snop  }
0x6: {  	_ = 	snop  }
0x7: {  	_ = 	snop  }
__scs_overlays_trampoline_lowered:
0x8: {  	[smem:$0x3FAE] =	sst s0  }
0x9: {  	[smem:$0x3FAF] =	sst s1  }
0xa: {  	[smem:$0x3FB0] =	sst s2  }
0xb: {  	[smem:$0x3FB1] =	sst s3  }
0xc: {  	[smem:$0x3FB2] =	sst s4  }
0xd: {  	[smem:$0x3FB3] =	sst s5  }
0xe: {  	[smem:$0x3FB4] =	sst s6  }
0xf: {  	[smem:$0x3FB5] =	sst s7  }
0x10: {  	[smem:$0x3FB6] =	sst s8  }
0x11: {  	[smem:$0x3FB7] =	sst s9;
	s0 =	simm.s32 @!p0 $0x0  }
0x12: {  	s1 =	sld [smem:$0x3F9D];
	s0 =	simm.s32 @p0 $0x1  }
0x13: {  	[smem:$0x3FB8] =	sst s0;
	s0 =	simm.s32 @!p1 $0x0  }
0x14: {  	s2 =	sld [smem:$0x3F9C];
	s0 =	simm.s32 @p1 $0x1  }
0x15: {  	[smem:$0x3FB9] =	sst s0;
	s0 =	simm.s32 @!p2 $0x0  }
0x16: {  	s3 =	sld [smem:$0x3FDB];
	s0 =	simm.s32 @p2 $0x1  }
0x17: {  	s4 =	simm.s32 $0x1BF5;
	[smem:$0x3FBB] =	sst s0  }
0x18: {  	s0 =	sld [smem:$0x3F9E];
	_ =	swait.ge [sflag:s4], $0x0  }
0x19: {  	s7 =	sld [smem:$0x3F9F]  }
0x1a: {  	s8 =	sadd.s32 $0xFFFFE003, lr  }
0x1b: {  	s9 =	sadd.s32 $0xFFFFFEF7, lr;
	s5 =	simm.s32 $0xFFFFFFFF;
	p2 =	slt.u32 s8, $0xFFFFF086  }
0x1c: {  	p1 =	slt.u32 s9, $0xF7A;
	s5 =	simm.s32 @!p2 $0x0  }
0x1d: {  	s5 =	simm.s32 @p1 $0x1;
	p0 =	seq.s32 s7, s2  }
0x1e: {  	s7 =	smul.u32 @!p0 $0xF7A, s2;
	p2 =	seq.s32 @!p0 s5, $0x0  }
0x1f: {  	s9 =	smul.u32 $0xF7A, s1;
	s8 =	simm.s32 @!p0 $0x1BF5;
	p2 =	por !p2, p0  }
0x20: {  	[sflag:s8] =	ssyncset.s32 @!p0 $0xFFFFF086;
	s6 =	sadd.s32 @!p0 s3, s7;
	s7 =	simm.s32 @!p0 $0x108  }
0x21: {  	s3 =	sadd.s32 s3, s9;
	s6 =	sadd.s32 @!p0 $0x88, s6;
	s7 =	simm.s32 @p2 $0x1082  }
0x22: {  	[simem:s7], [sflag:s8] =	dma.local @!p0 [hbm:s6], $0xF7A  }
0x23: {  	s9 =	sor.u32 $0xD0000000, s2;
	s6 =	simm.s32 $0x108;
	_ =	swait.ge @!p0 [sflag:s8], $0x0  }
0x24: {  	s3 =	sadd.s32 $0x88, s3;
	s6 =	simm.s32 @!p1 $0x1082;
	[sflag:s4] =	ssyncset.s32 $0xFFFFF086  }
0x25: {  	[simem:s6], [sflag:s4] =	dma.local [hbm:s3], $0xF7A  }
0x26: {  	[smem:$0x3F9F] =	sst s1;
	(tag) =	ssettag s2;
	_ =	strace s9  }
0x27: {  	s1 =	sld [smem:$0x3FAF]  }
0x28: {  	s2 =	sld [smem:$0x3FB0]  }
0x29: {  	s4 =	sld [smem:$0x3FB2]  }
0x2a: {  	p0 =	seq.s32 s5, $0x0;
	s5 =	sld [smem:$0x3FB3]  }
0x2b: {  	s6 =	sld [smem:$0x3FB4]  }
0x2c: {  	s7 =	sld [smem:$0x3FB5]  }
0x2d: {  	s3 =	simm.s32 $0x108;
	s8 =	sld [smem:$0x3FB6]  }
0x2e: {  	s3 =	simm.s32 @!p0 $0x1082;
	s9 =	sld [smem:$0x3FB7]  }
0x2f: {  	lr =	sadd.s32 s0, s3;
	s0 =	sld [smem:$0x3FAE]  }
0x30: {  	s3 =	sld [smem:$0x3FB1]  }
0x31: {  	[smem:$0x3FBA] =	sst s10  }
0x32: {  	s10 =	sld [smem:$0x3FB8];
	_ =	sdelay $0x3  }
0x33: {  	p0 =	seq.s32 s10, $0x1;
	s10 =	sld [smem:$0x3FBA];
	_ =	sdelay $0x3  }
0x34: {  	[smem:$0x3FBA] =	sst s10  }
0x35: {  	s10 =	sld [smem:$0x3FB9];
	_ =	sdelay $0x3  }
0x36: {  	p1 =	seq.s32 s10, $0x1;
	s10 =	sld [smem:$0x3FBA];
	_ =	sdelay $0x3  }
0x37: {  	[smem:$0x3FBA] =	sst s10  }
0x38: {  	s10 =	sld [smem:$0x3FBB]  }
0x39: {  	_ = 	snop;
	(pc) =	sbr.ind lr, $3  }
0x3a: {  	_ = 	snop  }
0x3b: {  	_ = 	snop  }
0x3c: {  	p2 =	seq.s32 s10, $0x1;
	s10 =	sld [smem:$0x3FBA]  }
0x3d: {  	_ =	shalt  }
0x3e: {  	_ =	shalt  }
0x3f: {  	_ =	shalt  }
0x40: {  	_ =	shalt  }
0x41: {  	_ =	shalt  }
0x42: {  	_ =	shalt  }
0x43: {  	_ =	shalt  }
0x44: {  	_ =	shalt  }
0x45: {  	_ =	shalt  }
0x46: {  	_ =	shalt  }
0x47: {  	_ =	shalt  }
0x48: {  	_ =	shalt  }
0x49: {  	_ =	shalt  }
0x4a: {  	_ =	shalt  }
0x4b: {  	_ =	shalt  }
0x4c: {  	_ =	shalt  }
0x4d: {  	_ =	shalt  }
0x4e: {  	_ =	shalt  }
0x4f: {  	_ =	shalt  }
0x50: {  	_ =	shalt  }
0x51: {  	_ =	shalt  }
0x52: {  	_ =	shalt  }
0x53: {  	_ =	shalt  }
0x54: {  	_ =	shalt  }
0x55: {  	_ =	shalt  }
0x56: {  	_ =	shalt  }
0x57: {  	_ =	shalt  }
0x58: {  	_ =	shalt  }
0x59: {  	_ =	shalt  }
0x5a: {  	_ =	shalt  }
0x5b: {  	_ =	shalt  }
0x5c: {  	_ =	shalt  }
0x5d: {  	_ =	shalt  }
0x5e: {  	_ =	shalt  }
0x5f: {  	_ =	shalt  }
0x60: {  	_ =	shalt  }
0x61: {  	_ =	shalt  }
0x62: {  	_ =	shalt  }
0x63: {  	_ =	shalt  }
0x64: {  	_ =	shalt  }
0x65: {  	_ =	shalt  }
0x66: {  	_ =	shalt  }
0x67: {  	_ =	shalt  }
0x68: {  	_ =	shalt  }
0x69: {  	_ =	shalt  }
0x6a: {  	_ =	shalt  }
0x6b: {  	_ =	shalt  }
0x6c: {  	_ =	shalt  }
0x6d: {  	_ =	shalt  }
0x6e: {  	_ =	shalt  }
0x6f: {  	_ =	shalt  }
0x70: {  	_ =	shalt  }
0x71: {  	_ =	shalt  }
0x72: {  	_ =	shalt  }
0x73: {  	_ =	shalt  }
0x74: {  	_ =	shalt  }
0x75: {  	_ =	shalt  }
0x76: {  	_ =	shalt  }
0x77: {  	_ =	shalt  }
0x78: {  	_ =	shalt  }
0x79: {  	_ =	shalt  }
0x7a: {  	_ =	shalt  }
0x7b: {  	_ =	shalt  }
0x7c: {  	_ =	shalt  }
0x7d: {  	_ =	shalt  }
0x7e: {  	_ =	shalt  }
0x7f: {  	_ =	shalt  }
0x80: {  	_ =	shalt  }
0x81: {  	_ =	shalt  }
0x82: {  	_ =	shalt  }
0x83: {  	_ =	shalt  }
0x84: {  	_ =	shalt  }
0x85: {  	_ =	shalt  }
0x86: {  	_ =	shalt  }
0x87: {  	_ =	shalt  }
.Lfunc_end0:
.L_simem_size_0:
called_computation_lowered:
.L_overlay_start_0:
0x88: {  	s2 =	sld [smem:$0x3FD9]  }
0x89: {  	s3 =	sld [smem:$0x3FFE];
	_ =	sdelay $0x1  }
0x8a: {  	s1 =	srdreg.scid  }
0x8b: {  	s0 =	sand.u32 $0x1, s1  }
0x8c: {  	s18 =	sshll.u32 s0, $0xA;
	s2 =	sadd.s32 s3, s2  }
0x8d: {  	s2 =	sadd.s32 s2, s18  }
0x8e: {  	[smem:$0x3FC6] =	sst s2  }
0x8f: {  	_ = 	snop  }
0x90: {  	s2 =	sld [smem:$0x3FC9]  }
0x91: {  	s19 =	sld [smem:$0x3FC8]  }
0x92: {  	s4 =	sld [smem:$0x3FD0];
	(tm) =	ssettm $0x1  }
0x93: {  	s5 =	sld [smem:$0x3FFB];
	_ =	sdelay $0x3  }
0x94: {  	_ =	strace s5  }
0x95: {  	s5 =	sld [smem:$0x3FFC];
	_ =	sdelay $0x3  }
0x96: {  	_ =	strace s5  }
0x97: {  	s5 =	sld [smem:$0x3FFD];
	_ =	sdelay $0x3  }
0x98: {  	_ =	strace s5  }
0x99: {  	_ =	strace $0x8FFFFFFF  }
0x9a: {  	s20 =	sld [smem:$0x3FDB];
	_ =	sdelay $0x1  }
0x9b: {  	s6 =	simm.s32 $_scs_section_size  }
0x9c: {  	s7 =	simm.s32 $_size__tile_overlayer_lowered;
	s8 =	simm.s32 $_tile_overlayer_lowered  }
0x9d: {  	s23 =	simm.s32 $0x1BFF;
	s22 =	sshll.u32 s8, $0x1;
	s5 =	sadd.s32 s6, s20  }
0x9e: {  	s9 =	simm.s32 $0x0;
	s21 =	sshll.u32 s7, $0x1;
	s7 =	sadd.s32 s22, s5  }
0x9f: {  	[timem:s9], [sflag:s23] =	dma.local [hbm:s7], s21  }
0xa0: {  	_ =	swait.ge [sflag:s23], s21  }
0xa1: {  	s6 =	ssub.s32 $0x0, s21;
	[sflag:s23] =	ssyncset.done $0x0  }
0xa2: {  	[sflag:s23] =	ssyncadd.s32 s6;
	_ =	sdelay $0x1  }
0xa3: {  	s24 =	simm.s32 $0x1B8B  }
0xa4: {  	_ =	swait.ge [sflag:s24], $0x1  }
0xa5: {  	[sflag:s24] =	ssyncset.done $0x0  }
0xa6: {  	s25 =	simm.s32 $0x1B8E;
	[sflag:s24] =	ssyncadd.s32 $0xFFFFFFFF  }
0xa7: {  	s26 =	simm.s32 $execute0_lowered;
	[smem:$0x3FD2] =	sst s25  }
0xa8: {  	s6 =	sshll.u32 s26, $0x1;
	_ =	strace $0x80000046;
	[dreg:$0x1] =	wrdreg $0xFFFFFFFF  }
0xa9: {  	s28 =	simm.s32 $_size_execute0_lowered;
	s5 =	sadd.s32 s5, s6;
	[dreg:$0x0] =	wrdreg $0x0  }
0xaa: {  	s6 =	sshll.u32 s28, $0x1;
	[dreg:$0x2] =	wrdreg s5  }
0xab: {  	[dreg:$0x3] =	wrdreg s6  }
0xac: {  	[dreg:$0x4] =	wrdreg $0xC0  }
0xad: {  	_ =	task [dreg:s9], $0x5FFFF  }
0xae: {  	[dreg:$0x1] =	wrdreg $0xFFFFFFFF  }
0xaf: {  	[dreg:$0x0] =	wrdreg $0x60  }
0xb0: {  	[dreg:$0x2] =	wrdreg s2  }
0xb1: {  	[dreg:$0x3] =	wrdreg s19  }
0xb2: {  	[dreg:$0x4] =	wrdreg s4  }
0xb3: {  	[dreg:$0x5] =	wrdreg $0x9  }
0xb4: {  	_ =	task.clear_ibuf [dreg:s9], $0x6FFFF;
	_ =	strace $0x90000046  }
0xb5: {  	s29 =	simm.s32 $0x9;
	_ =	strace $0x80000048  }
0xb6: {  	_ =	swait.ge [sflag:s29], $0x1  }
0xb7: {  	[sflag:s29] =	ssyncadd.s32 $0xFFFFFFFF  }
0xb8: {  	_ =	strace $0x90000048  }
0xb9: {  	_ =	sfence  }
0xba: {  	s30 =	sld [smem:$0x0];
	_ =	sdelay $0x2  }
0xbb: {  	s31 =	sshll.u32 s1, $0xD;
	s1 =	sshrl.u32 s1, $0x2  }
0xbc: {  	s3 =	sand.u32 $0x4000, s31;
	s1 =	sadd.s32 s1, s30  }
0xbd: {  	s0 =	sor.u32 s3, s0;
	s1 =	sshll.u32 s1, $0x11  }
0xbe: {  	s0 =	sor.u32 s1, s0  }
0xbf: {  	s0 =	sadd.s32 $0x8F2B, s0  }
0xc0: {  	[sflag:s0] =	ssyncadd.remote.s32 $0x1  }
0xc1: {  	_ =	sfence.sel $0xFFFF  }
0xc2: {  	[dreg:$0x0] =	wrdreg $0xFFFFFFFF;
	(pc) =	sbr.abs _section_cstart, $3  }
0xc3: {  	[dreg:$0x1] =	wrdreg $0xFFFFFFFF  }
0xc4: {  	_ =	task.clear_ibuf [dreg:s9], $0x2FFFF;
	_ =	strace $0x9FFFFFFF  }
0xc5: {  	(tm) =	ssettm $0x7FFFFFFF  }
tec
execute0_lowered:
.L_overlay_start_1:
0x0: {  	(tag) =	ssettag $0x1  }
0x1: {  	s4 =	rddreg [dreg:$0x0]  }
0x2: {  	s1 =	rddreg [dreg:$0x1]  }
0x3: {  	s5 =	rddreg [dreg:$0x2];
	s2 =	srdreg.scid  }
0x4: {  	s0 =	rddreg [dreg:$0x3];
	s3 =	simm.s32 $0x0;
	s10 =	simm.s32 $0xC00  }
0x5: {  	s11 =	simm.s32 $0x3;
	s12 =	simm.s32 $0x0;
	s6 =	sand.u32 $0x1, s2  }
0x6: {  	v0 =	vimm.s32 $0x1F4;
	[smem:$0x7FF] =	sst s3;
	s2 =	stileid.u32;
	s7 =	ssub.s32 $0x2, s6  }
0x7: {  	s9 =	sshll.u32 s2, $0x9;
	s6 =	sshll.u32 s6, $0x8;
	_ =	strace $0x80000047  }
0x8: {  	s8 =	sshrl.u32 s7, $0x1;
	s6 =	sor.u32 s6, s9;
	s9 =	simm.s32 $0x2  }
0x9: {  	v1 =	vimm.s32 $0x0;
	s7 =	ssub.s32 s7, s8;
	s4 =	sadd.s32 s4, s6;
	s5 =	sadd.s32 s5, s6  }
0xa: {  	v2 =	vimm.s32 $0xFA;
	v3 =	vimm.s32 $0x1;
	v4 =	vimm.f32 $1.000000000e+00;
	s8 =	simm.s32 $0x1;
	s6 =	smax.u32 s7, $0x1;
	s7 =	simm.s32 $0x400  }
.LBB2_1:
0xb: {  	[tilespmem:s3], [sflag:$0x1] =	stream.linear.gather [hbm4b:s1+s3], $0x3E8, $0x38;
	[tilespmem:$0x1400] =	vst v63  }
0xc: {  	_ = 	snop  }
0xd: {  	[tilespmem:s7], [sflag:$0x2] =	stream.linear.gather [hbm4b:s4+s3], $0x800, $0x38;
	[tilespmem:$0x1400] =	vst v63  }
0xe: {  	_ =	swait.ge [sflag:s8], $0x3E8  }
0xf: {  	[sflag:s8] =	ssyncset.done $0x0  }
0x10: {  	[sflag:s8] =	ssyncadd.s32 $0xFFFFFC18  }
0x11: {  	_ =	swait.ge [sflag:s9], $0x800  }
0x12: {  	[sflag:s9] =	ssyncset.done $0x0  }
0x13: {  	[sflag:s9] =	ssyncadd.s32 $0xFFFFF800  }
0x14: {  	s13 =	simm.s32 $0x0;
	v5 =	vld.idx.msk [tilespmem:v0+s3+$0x0], $0xffff  }
0x15: {  	v11 =	vld [tilespmem:s13+$0x400];
	_ =	sdelay $0x4  }
0x16: {  	vm0 =	vlt.f32 v5, v11  }
0x17: {  	v5 =	vsel vm0, $0x2EE, v2;
	_ =	sdelay $0x4  }
0x18: {  	v6 =	vld.idx.msk [tilespmem:v5+s3+$0x0], $0xffff;
	_ =	sdelay $0x4  }
0x19: {  	v7 =	vsel vm0, $0x3E8, v0;
	vm1 =	vlt.f32 v6, v11  }
0x1a: {  	v8 =	vor.u32 $0x1, v5;
	v6 =	vsel vm0, $0x1F5, v1;
	v5 =	vsel vm1, v7, v5  }
0x1b: {  	v6 =	vsel vm1, v8, v6;
	v7 =	vadd.s32 $0xFFFFFFFF, v5  }
0x1c: {  	v7 =	vadd.s32 v7, v6  }
0x1d: {  	v7 =	vadd.s32 $0x1, v7  }
0x1e: {  	v7 =	vshrl.u32 v7, $0x1;
	_ =	sdelay $0x2  }
0x1f: {  	s14 =	simm.s32 $0x10;
	v9 =	vld.idx.msk [tilespmem:v0+s3+$0x0], $0xffff  }
0x20: {  	v8 =	vld [tilespmem:s14+$0x400]  }
0x21: {  	v10 =	vld.idx.msk [tilespmem:v7+s3+$0x0], $0xffff;
	_ =	sdelay $0x3  }
0x22: {  	vm0 =	vlt.f32 v9, v8  }
0x23: {  	v9 =	vadd.s32 $0x1, v7;
	vm1 =	vlt.f32 v10, v11;
	v10 =	vsel vm0, $0x2EE, v2  }
0x24: {  	v6 =	vsel vm1, v9, v6;
	v5 =	vsel vm1, v5, v7  }
0x25: {  	v7 =	vxor.u32 v5, v6  }
0x26: {  	v9 =	vand.u32 v5, v6;
	v7 =	vshrl.u32 v7, $0x1  }
0x27: {  	v7 =	vadd.s32 v7, v9  }
0x28: {  	v9 =	vld.idx.msk [tilespmem:v10+s3+$0x0], $0xffff;
	_ =	sdelay $0x3  }
0x29: {  	v12 =	vld.idx.msk [tilespmem:v7+s3+$0x0], $0xffff  }
0x2a: {  	v13 =	vsel vm0, $0x3E8, v0;
	vm1 =	vlt.f32 v9, v8  }
0x2b: {  	v14 =	vor.u32 $0x1, v10;
	v9 =	vsel vm0, $0x1F5, v1;
	v10 =	vsel vm1, v13, v10  }
0x2c: {  	v9 =	vsel vm1, v14, v9;
	v13 =	vadd.s32 $0xFFFFFFFF, v10  }
0x2d: {  	v13 =	vadd.s32 v13, v9  }
0x2e: {  	vm0 =	vlt.f32 v12, v11;
	v12 =	vadd.s32 $0x1, v7;
	v13 =	vadd.s32 $0x1, v13  }
0x2f: {  	v12 =	vsel vm0, v12, v6;
	v5 =	vsel vm0, v5, v7;
	v7 =	vshrl.u32 v13, $0x1  }
0x30: {  	v6 =	vadd.s32 v5, v12  }
0x31: {  	v13 =	vshrl.u32 v6, $0x1;
	_ =	sdelay $0x2  }
0x32: {  	v6 =	vld.idx.msk [tilespmem:v7+s3+$0x0], $0xffff;
	_ =	sdelay $0x1  }
0x33: {  	v14 =	vld.idx.msk [tilespmem:v13+s3+$0x0], $0xffff;
	_ =	sdelay $0x2  }
0x34: {  	s15 =	simm.s32 $0x20;
	v15 =	vld.idx.msk [tilespmem:v0+s3+$0x0], $0xffff;
	v16 =	vadd.s32 $0x1, v7;
	vm0 =	vlt.f32 v6, v8  }
0x35: {  	v6 =	vld [tilespmem:s15+$0x400];
	v9 =	vsel vm0, v16, v9;
	v7 =	vsel vm0, v10, v7  }
0x36: {  	vm0 =	vlt.f32 v14, v11;
	v10 =	vxor.u32 v7, v9  }
0x37: {  	v14 =	vadd.s32 $0x1, v13;
	v16 =	vand.u32 v7, v9;
	v10 =	vshrl.u32 v10, $0x1  }
0x38: {  	v12 =	vsel vm0, v14, v12;
	v5 =	vsel vm0, v5, v13;
	v10 =	vadd.s32 v10, v16  }
0x39: {  	v13 =	vadd.s32 v5, v12  }
0x3a: {  	v13 =	vshrl.u32 v13, $0x1;
	vm0 =	vlt.f32 v15, v6  }
0x3b: {  	v14 =	vsel vm0, $0x2EE, v2;
	_ =	sdelay $0x1  }
0x3c: {  	v15 =	vld.idx.msk [tilespmem:v10+s3+$0x0], $0xffff;
	_ =	sdelay $0x1  }
0x3d: {  	v16 =	vld.idx.msk [tilespmem:v13+s3+$0x0], $0xffff  }
0x3e: {  	v17 =	vld.idx.msk [tilespmem:v14+s3+$0x0], $0xffff;
	_ =	sdelay $0x1  }
0x3f: {  	vm1 =	vlt.f32 v15, v8;
	v15 =	vadd.s32 $0x1, v10  }
0x40: {  	v18 =	vsel vm0, $0x1F5, v1;
	v9 =	vsel vm1, v15, v9;
	v7 =	vsel vm1, v7, v10  }
0x41: {  	vm1 =	vlt.f32 v16, v11;
	v10 =	vadd.s32 $0x1, v13;
	v15 =	vadd.s32 v7, v9  }
0x42: {  	v16 =	vsel vm0, $0x3E8, v0;
	vm0 =	vlt.f32 v17, v6;
	v15 =	vshrl.u32 v15, $0x1  }
0x43: {  	v17 =	vor.u32 $0x1, v14;
	v10 =	vsel vm1, v10, v12;
	v12 =	vsel vm0, v16, v14  }
0x44: {  	v5 =	vsel vm1, v5, v13;
	v13 =	vsel vm0, v17, v18;
	v14 =	vadd.s32 $0xFFFFFFFF, v12  }
0x45: {  	v16 =	vadd.s32 v5, v10;
	v14 =	vadd.s32 v14, v13  }
0x46: {  	v16 =	vshrl.u32 v16, $0x1;
	v14 =	vadd.s32 $0x1, v14  }
0x47: {  	v14 =	vshrl.u32 v14, $0x1;
	v17 =	vld.idx.msk [tilespmem:v15+s3+$0x0], $0xffff;
	_ =	sdelay $0x3  }
0x48: {  	v18 =	vld.idx.msk [tilespmem:v16+s3+$0x0], $0xffff  }
0x49: {  	v19 =	vld.idx.msk [tilespmem:v14+s3+$0x0], $0xffff;
	vm0 =	vlt.f32 v17, v8;
	v17 =	vadd.s32 $0x1, v15  }
0x4a: {  	v9 =	vsel vm0, v17, v9;
	v7 =	vsel vm0, v7, v15  }
0x4b: {  	v15 =	vadd.s32 v7, v9  }
0x4c: {  	v15 =	vshrl.u32 v15, $0x1  }
0x4d: {  	v17 =	vadd.s32 $0x1, v16;
	vm0 =	vlt.f32 v18, v11  }
0x4e: {  	s16 =	simm.s32 $0x30;
	v18 =	vadd.s32 $0x1, v14;
	v10 =	vsel vm0, v17, v10;
	v17 =	vld.idx.msk [tilespmem:v0+s3+$0x0], $0xffff;
	vm1 =	vlt.f32 v19, v6  }
0x4f: {  	v16 =	vsel vm0, v5, v16;
	v5 =	vld [tilespmem:s16+$0x400];
	v13 =	vsel vm1, v18, v13;
	v12 =	vsel vm1, v12, v14  }
0x50: {  	v14 =	vadd.s32 v16, v10;
	v18 =	vxor.u32 v12, v13  }
0x51: {  	v14 =	vshrl.u32 v14, $0x1;
	v19 =	vand.u32 v12, v13;
	v18 =	vshrl.u32 v18, $0x1;
	v20 =	vld.idx.msk [tilespmem:v15+s3+$0x0], $0xffff  }
0x52: {  	v18 =	vadd.s32 v18, v19;
	_ =	sdelay $0x1  }
0x53: {  	vm0 =	vlt.f32 v17, v5  }
0x54: {  	v17 =	vsel vm0, $0x2EE, v2  }
0x55: {  	v19 =	vld.idx.msk [tilespmem:v14+s3+$0x0], $0xffff;
	vm1 =	vlt.f32 v20, v8;
	v20 =	vadd.s32 $0x1, v15  }
0x56: {  	v21 =	vld.idx.msk [tilespmem:v18+s3+$0x0], $0xffff;
	v9 =	vsel vm1, v20, v9;
	v7 =	vsel vm1, v7, v15  }
0x57: {  	v15 =	vadd.s32 v7, v9  }
0x58: {  	v15 =	vshrl.u32 v15, $0x1  }
0x59: {  	v20 =	vld.idx.msk [tilespmem:v17+s3+$0x0], $0xffff  }
0x5a: {  	v22 =	vadd.s32 $0x1, v14  }
0x5b: {  	vm1 =	vlt.f32 v19, v11;
	v19 =	vadd.s32 $0x1, v18;
	vm2 =	vlt.f32 v21, v6  }
0x5c: {  	v10 =	vsel vm1, v22, v10;
	v13 =	vsel vm2, v19, v13;
	v12 =	vsel vm2, v12, v18  }
0x5d: {  	v14 =	vsel vm1, v16, v14;
	v22 =	vor.u32 $0x1, v17;
	v18 =	vadd.s32 v12, v13;
	v19 =	vld.idx.msk [tilespmem:v15+s3+$0x0], $0xffff  }
0x5e: {  	v21 =	vsel vm0, $0x3E8, v0;
	vm1 =	vlt.f32 v20, v5;
	v18 =	vshrl.u32 v18, $0x1  }
0x5f: {  	v16 =	vadd.s32 v14, v10;
	v20 =	vsel vm0, $0x1F5, v1;
	v17 =	vsel vm1, v21, v17  }
0x60: {  	v16 =	vshrl.u32 v16, $0x1;
	v20 =	vsel vm1, v22, v20;
	v21 =	vadd.s32 $0xFFFFFFFF, v17  }
0x61: {  	v21 =	vadd.s32 v21, v20  }
0x62: {  	v22 =	vadd.s32 $0x1, v15;
	v21 =	vadd.s32 $0x1, v21;
	vm0 =	vlt.f32 v19, v8  }
0x63: {  	v19 =	vshrl.u32 v21, $0x1;
	v21 =	vld.idx.msk [tilespmem:v18+s3+$0x0], $0xffff;
	v9 =	vsel vm0, v22, v9;
	v15 =	vsel vm0, v7, v15  }
0x64: {  	v7 =	vadd.s32 v15, v9  }
0x65: {  	v22 =	vld.idx.msk [tilespmem:v16+s3+$0x0], $0xffff;
	v23 =	vshrl.u32 v7, $0x1;
	_ =	sdelay $0x2  }
0x66: {  	v7 =	vld.idx.msk [tilespmem:v19+s3+$0x0], $0xffff;
	vm0 =	vlt.f32 v21, v6;
	v21 =	vadd.s32 $0x1, v18  }
0x67: {  	v13 =	vsel vm0, v21, v13;
	v12 =	vsel vm0, v12, v18  }
0x68: {  	vm0 =	vlt.f32 v22, v11;
	v21 =	vadd.s32 v12, v13;
	v22 =	vld.idx.msk [tilespmem:v23+s3+$0x0], $0xffff  }
0x69: {  	v18 =	vadd.s32 $0x1, v16;
	v14 =	vsel vm0, v14, v16;
	v16 =	vshrl.u32 v21, $0x1  }
0x6a: {  	s17 =	simm.s32 $0x40;
	v24 =	vadd.s32 $0x1, v23;
	v10 =	vsel vm0, v18, v10;
	v18 =	vld.idx.msk [tilespmem:v0+s3+$0x0], $0xffff  }
0x6b: {  	v10 =	vadd.s32 v14, v10;
	v21 =	vadd.s32 $0x1, v19;
	vm0 =	vlt.f32 v7, v5;
	v7 =	vld [tilespmem:s17+$0x400]  }
0x6c: {  	v10 =	vshrl.u32 v10, $0x1;
	v20 =	vsel vm0, v21, v20;
	v17 =	vsel vm0, v17, v19  }
0x6d: {  	v19 =	vand.u32 v17, v20;
	v21 =	vxor.u32 v17, v20;
	vm0 =	vlt.f32 v22, v8  }
0x6e: {  	v21 =	vshrl.u32 v21, $0x1;
	v22 =	vld.idx.msk [tilespmem:v16+s3+$0x0], $0xffff;
	v9 =	vsel vm0, v24, v9;
	v15 =	vsel vm0, v15, v23  }
0x6f: {  	v19 =	vadd.s32 v21, v19;
	v21 =	vadd.s32 v15, v9  }
0x70: {  	vm0 =	vlt.f32 v18, v7;
	v18 =	vshrl.u32 v21, $0x1  }
0x71: {  	v21 =	vsel vm0, $0x2EE, v2;
	_ =	sdelay $0x1  }
0x72: {  	v23 =	vld.idx.msk [tilespmem:v10+s3+$0x0], $0xffff;
	vm1 =	vlt.f32 v22, v6;
	v22 =	vadd.s32 $0x1, v16  }
0x73: {  	v24 =	vld.idx.msk [tilespmem:v19+s3+$0x0], $0xffff;
	v13 =	vsel vm1, v22, v13;
	v12 =	vsel vm1, v12, v16  }
0x74: {  	v16 =	vadd.s32 v12, v13;
	v22 =	vld.idx.msk [tilespmem:v18+s3+$0x0], $0xffff  }
0x75: {  	v25 =	vld.idx.msk [tilespmem:v21+s3+$0x0], $0xffff;
	v16 =	vshrl.u32 v16, $0x1;
	_ =	sdelay $0x1  }
0x76: {  	v28 =	vsel vm0, $0x3E8, v0;
	v26 =	vor.u32 $0x1, v21;
	v27 =	vadd.s32 $0x1, v18  }
0x77: {  	vm1 =	vlt.f32 v23, v11;
	vm2 =	vlt.f32 v24, v5;
	v24 =	vadd.s32 $0x1, v19  }
0x78: {  	v23 =	vsel vm0, $0x1F5, v1;
	v20 =	vsel vm2, v24, v20;
	v17 =	vsel vm2, v17, v19  }
0x79: {  	v19 =	vadd.s32 v17, v20;
	v24 =	vld.idx.msk [tilespmem:v16+s3+$0x0], $0xffff;
	vm0 =	vlt.f32 v22, v8;
	vm2 =	vlt.f32 v25, v7  }
0x7a: {  	v19 =	vshrl.u32 v19, $0x1;
	v9 =	vsel vm0, v27, v9;
	v21 =	vsel vm2, v28, v21  }
0x7b: {  	v15 =	vsel vm0, v15, v18;
	v18 =	vsel vm2, v26, v23;
	v22 =	vadd.s32 $0xFFFFFFFF, v21  }
0x7c: {  	v10 =	vsel vm1, v14, v10;
	v9 =	vadd.s32 v15, v9;
	v14 =	vadd.s32 v22, v18  }
0x7d: {  	v25 =	vadd.s32 $0xFFFFFFFF, v10;
	v23 =	vshrl.u32 v9, $0x1;
	v9 =	vadd.s32 $0x1, v14  }
0x7e: {  	v22 =	vadd.s32 $0x1, v16;
	v14 =	vshrl.u32 v9, $0x1;
	vm0 =	vlt.f32 v24, v6  }
0x7f: {  	vm1 =	vgt.s32 v25, $0x0;
	v9 =	vld.idx.msk [tilespmem:v19+s3+$0x0], $0xffff;
	v13 =	vsel vm0, v22, v13;
	v12 =	vsel vm0, v12, v16  }
0x80: {  	v16 =	vnsel vm1, $0x0, v25;
	v22 =	vadd.s32 v12, v13  }
0x81: {  	v24 =	vld.idx.msk [tilespmem:v10+s3+$0x0], $0xffff;
	v22 =	vshrl.u32 v22, $0x1  }
0x82: {  	v26 =	vld.idx.msk [tilespmem:v23+s3+$0x0], $0xffff  }
0x83: {  	v27 =	vld.idx.msk [tilespmem:v14+s3+$0x0], $0xffff  }
0x84: {  	v33 =	vcvt.s32.f32 v10;
	vm0 =	vlt.f32 v9, v5;
	v9 =	vadd.s32 $0x1, v19  }
0x85: {  	vm13 =	vlt.u32 v10, $0x2;
	v16 =	vld.idx.msk [tilespmem:v16+s3+$0x0], $0xffff;
	v20 =	vsel vm0, v9, v20;
	v17 =	vsel vm0, v17, v19  }
0x86: {  	vm2 =	veq.s32 v10, $0x0;
	v9 =	vsub.f32 v24, v11;
	v19 =	vadd.s32 v17, v20;
	v28 =	vld.idx.msk [tilespmem:v22+s3+$0x0], $0xffff  }
0x87: {  	vm0 =	vlt.u32 v10, $0x3E8;
	vm1 =	vlt.f32 v26, v8;
	v19 =	vshrl.u32 v19, $0x1  }
0x88: {  	s18 =	simm.s32 $0x50;
	v26 =	vld.idx.msk [tilespmem:v0+s3+$0x0], $0xffff;
	v29 =	vnsel vm0, $0x7DB48E52, v9;
	vm3 =	vlt.f32 v27, v7;
	v27 =	vadd.s32 $0x1, v14  }
0x89: {  	v9 =	vld [tilespmem:s18+$0x400];
	v18 =	vsel vm3, v27, v18;
	v14 =	vsel vm3, v21, v14;
	v21 =	vadd.s32 $0x1, v22  }
0x8a: {  	v27 =	vsub.f32 v11, v16;
	v24 =	vsub.f32 v16, v24;
	v30 =	vxor.u32 v14, v18  }
0x8b: {  	v31 =	vand.u32 v14, v18;
	v30 =	vshrl.u32 v30, $0x1;
	vm0 =	vlt.f32 v28, v6  }
0x8c: {  	v28 =	vld.idx.msk [tilespmem:v19+s3+$0x0], $0xffff;
	v13 =	vsel vm0, v21, v13;
	v12 =	vsel vm0, v12, v22;
	v21 =	vadd.s32 v30, v31  }
0x8d: {  	v16 =	vsub.f32 v16, v11;
	v27 =	vsel vm2, $0x7DB48E52, v27;
	v22 =	vadd.s32 v12, v13  }
0x8e: {  	vm0 =	vle.f32 v27, v29;
	vm2 =	vlt.f32 v26, v9;
	v22 =	vshrl.u32 v22, $0x1  }
0x8f: {  	(erf) = vrcp.f32 v24;
	v26 =	vsel vm0, $0xFFFFFFFE, v3;
	v30 =	vsel vm2, $0x2EE, v2  }
0x90: {  	v24 =	vadd.s32 $0x1, v19;
	v31 =	vsel vm2, $0x1F5, v1;
	v26 =	vadd.s32 v10, v26  }
0x91: {  	v32 =	vor.u32 $0x1, v30;
	vm3 =	vgt.s32 v26, $0x0;
	vm4 =	vlt.f32 v28, v5;
	v28 =	vld.idx.msk [tilespmem:v21+s3+$0x0], $0xffff  }
0x92: {  	v26 =	vnsel vm3, $0x0, v26;
	v20 =	vsel vm4, v24, v20;
	v17 =	vsel vm4, v17, v19  }
0x93: {  	vm3 =	vgt.u32 v10, $0x3E6;
	v10 =	vsel vm1, v15, v23;
	v19 =	vadd.s32 v17, v20;
	v24 =	vld.idx.msk [tilespmem:v22+s3+$0x0], $0xffff  }
0x94: {  	v15 =	vsel vm0, v29, v27;
	v29 =	vsel vm0, $0x0, v4;
	v34 =	vshrl.u32 v19, $0x1;
	v19 =	vld.idx.msk [tilespmem:v30+s3+$0x0], $0xffff  }
0x95: {  	v23 =	vadd.s32 $0x1, v22;
	vm1 =	vmneg vm0;
	v27 =	vadd.s32 $0x1, v21  }
0x96: {  	vm3 =	vmand vm1, vm3;
	vm4 =	vmand vm0, vm13;
	vm5 =	vlt.f32 v28, v7  }
0x97: {  	v26 =	vld.idx.msk [tilespmem:v26+s3+$0x0], $0xffff;
	v18 =	vsel vm5, v27, v18;
	v28 =	vsel vm5, v14, v21;
	v14 =	vsel vm2, $0x3E8, v0  }
0x98: {  	vm3 =	vmor vm4, vm3;
	v21 =	vadd.s32 v28, v18;
	vm2 =	vlt.f32 v24, v6  }
0x99: {  	vm14 =	vlt.f32 v19, v9;
	v36 =	vshrl.u32 v21, $0x1;
	v13 =	vsel vm2, v23, v13  }
0x9a: {  	v24 =	vld.idx.msk [tilespmem:v34+s3+$0x0], $0xffff;
	v12 =	vsel vm2, v12, v22;
	v21 =	vsel vm14, v14, v30;
	v14 =	vpop (erf);
	v23 =	vsel vm14, v32, v31  }
0x9b: {  	v13 =	vadd.s32 v12, v13;
	v19 =	vadd.s32 $0xFFFFFFFF, v21;
	v22 =	vmul.f32 v14, v16  }
0x9c: {  	v14 =	vshrl.u32 v13, $0x1;
	v13 =	vsub.f32 v26, v11;
	v11 =	vadd.s32 $0xFFFFFFFF, v10  }
0x9d: {  	v35 =	vadd.s32 $0x1, v34;
	v19 =	vadd.s32 v19, v23;
	vm15 =	vgt.s32 v11, $0x0  }
0x9e: {  	v16 =	vld.idx.msk [tilespmem:v10+s3+$0x0], $0xffff;
	v19 =	vadd.s32 $0x1, v19;
	v22 =	vmax.f32 v22, $0.0e+00;
	v13 =	vand.u32 $0x7FFFFFFF, v13  }
0x9f: {  	v27 =	vshrl.u32 v19, $0x1;
	vm2 =	vlt.f32 v24, v5;
	v24 =	vld.idx.msk [tilespmem:v36+s3+$0x0], $0xffff;
	v13 =	vsel vm3, $0x7DB48E52, v13  }
0xa0: {  	v19 =	vsel vm2, v35, v20;
	v20 =	vsel vm2, v17, v34;
	v17 =	vnsel vm15, $0x0, v11  }
0xa1: {  	v31 =	vmin.f32 v22, $1.000000000e+00;
	vm2 =	vle.f32 v13, v15;
	v26 =	vadd.s32 v20, v19  }
0xa2: {  	vm3 =	vlt.f32 v13, v15;
	v15 =	vcvt.s32.f32 v25;
	v63 =	vld.idx.msk [tilespmem:v14+s3+$0x0], $0xffff;
	v22 =	vshrl.u32 v26, $0x1  }
0xa3: {  	v13 =	vadd.s32 $0x1, v36;
	vm1 =	vmand vm1, vm3;
	vm0 =	vmand vm0, vm2  }
0xa4: {  	v26 =	vsub.f32 v16, v8;
	vm0 =	vmor vm0, vm1;
	vm2 =	vlt.f32 v24, v7;
	v30 =	vld.idx.msk [tilespmem:v27+s3+$0x0], $0xffff  }
0xa5: {  	v24 =	vsel vm2, v13, v18;
	v25 =	vsel vm2, v28, v36;
	v13 =	vsel vm0, v29, v31;
	v18 =	vld.idx.msk [tilespmem:v17+s3+$0x0], $0xffff  }
0xa6: {  	vm1 =	vlt.u32 v10, $0x3E8;
	v28 =	vadd.s32 v25, v24;
	v17 =	vsub.f32 $1.000000000e+00, v13  }
0xa7: {  	s19 =	simm.s32 $0x180;
	v13 =	vmul.f32 v33, v13;
	vm0 =	vlt.f32 v63, v6;
	v29 =	vld.idx.msk [tilespmem:v22+s3+$0x0], $0xffff;
	v28 =	vshrl.u32 v28, $0x1  }
.LBB2_2:
0xa8: {  	s20 =	sshra.s32 s19, $0x2;
	v31 =	vld.idx.msk [tilespmem:v0+s3+$0x0], $0xffff;
	p0 =	sne.s32 s19, $0x1FC0;
	s19 =	sadd.s32 $0x40, s19;
	vm2 =	veq.s32 v10, $0x0;
	v26 =	vnsel vm1, $0x7DB48E52, v26;
	v15 =	vmul.f32 v15, v17  }
0xa9: {  	vm1 =	vlt.f32 v30, v9;
	v17 =	vadd.s32 $0x1, v27;
	v30 =	vadd.s32 $0x1, v22  }
0xaa: {  	v17 =	vsel vm1, v17, v23;
	v21 =	vsel vm1, v21, v27;
	v23 =	vsub.f32 v8, v18;
	v32 =	vld [tilespmem:s20+$0x400]  }
0xab: {  	v27 =	vand.u32 v21, v17;
	v33 =	vxor.u32 v21, v17;
	v13 =	vadd.f32 v15, v13  }
0xac: {  	v15 =	vshrl.u32 v33, $0x1;
	vm1 =	vlt.f32 v29, v5;
	v23 =	vsel vm2, $0x7DB48E52, v23;
	v33 =	vld.idx.msk [tilespmem:v28+s3+$0x0], $0xffff  }
0xad: {  	v15 =	vadd.s32 v15, v27;
	v19 =	vsel vm1, v30, v19;
	v20 =	vsel vm1, v20, v22;
	[tilespmem:s13+$0xC00] =	vst v13;
	s13 =	smov.u32 s14;
	s14 =	smov.u32 s15;
	s15 =	smov.u32 s16  }
0xae: {  	v16 =	vsub.f32 v18, v16;
	vm1 =	vle.f32 v23, v26;
	v13 =	vadd.s32 v20, v19;
	s16 =	smov.u32 s17;
	s17 =	smov.u32 s18;
	s18 =	smov.u32 s20  }
0xaf: {  	v22 =	vsel vm1, $0xFFFFFFFE, v3;
	v13 =	vshrl.u32 v13, $0x1;
	vm2 =	vlt.f32 v31, v32  }
0xb0: {  	v22 =	vadd.s32 v10, v22;
	v27 =	vsel vm2, $0x1F5, v1;
	v29 =	vsel vm2, $0x2EE, v2  }
0xb1: {  	vm3 =	vgt.s32 v22, $0x0;
	v30 =	vor.u32 $0x1, v29;
	(erf) = vrcp.f32 v16  }
0xb2: {  	v31 =	vadd.s32 $0x1, v28;
	v22 =	vnsel vm3, $0x0, v22;
	vm4 =	vlt.f32 v33, v7;
	v16 =	vld.idx.msk [tilespmem:v15+s3+$0x0], $0xffff  }
0xb3: {  	v18 =	vsub.f32 v18, v8;
	v24 =	vsel vm4, v31, v24;
	v25 =	vsel vm4, v25, v28  }
0xb4: {  	vm3 =	vgt.u32 v10, $0x3E6;
	v33 =	vcvt.s32.f32 v10;
	v28 =	vadd.s32 v25, v24;
	v31 =	vld.idx.msk [tilespmem:v13+s3+$0x0], $0xffff  }
0xb5: {  	vm4 =	vlt.u32 v10, $0x2;
	v10 =	vsel vm0, v12, v14;
	v28 =	vshrl.u32 v28, $0x1;
	v34 =	vld.idx.msk [tilespmem:v29+s3+$0x0], $0xffff  }
0xb6: {  	v35 =	vsel vm1, v26, v23;
	v36 =	vsel vm1, $0x0, v4;
	vm4 =	vmand vm1, vm4  }
0xb7: {  	v12 =	vadd.s32 $0x1, v13;
	vm0 =	vmneg vm1;
	v26 =	vadd.s32 $0x1, v28;
	v22 =	vld.idx.msk [tilespmem:v22+s3+$0x0], $0xffff  }
0xb8: {  	v14 =	vadd.s32 $0x1, v15;
	vm3 =	vmand vm0, vm3;
	vm5 =	vlt.f32 v16, v9  }
0xb9: {  	v16 =	vsel vm2, $0x3E8, v0;
	v17 =	vsel vm5, v14, v17;
	v37 =	vsel vm5, v21, v15  }
0xba: {  	vm2 =	vmor vm4, vm3;
	v14 =	vadd.s32 v37, v17;
	vm5 =	vlt.f32 v31, v5;
	v15 =	vld.idx.msk [tilespmem:v28+s3+$0x0], $0xffff;
	v23 =	vpop (erf)  }
0xbb: {  	vm3 =	vlt.f32 v34, v32;
	v31 =	vshrl.u32 v14, $0x1;
	v14 =	vsel vm5, v12, v19  }
0xbc: {  	v12 =	vsel vm5, v20, v13;
	v21 =	vsel vm3, v16, v29;
	v13 =	vmul.f32 v23, v18  }
0xbd: {  	v23 =	vsel vm3, v30, v27;
	v14 =	vadd.s32 v12, v14;
	v18 =	vadd.s32 $0xFFFFFFFF, v21;
	v16 =	vld.idx.msk [tilespmem:v10+s3+$0x0], $0xffff  }
0xbe: {  	v14 =	vshrl.u32 v14, $0x1;
	v22 =	vsub.f32 v22, v8;
	v8 =	vmovc v6;
	v6 =	vmovc v5;
	v18 =	vadd.s32 v18, v23  }
0xbf: {  	v29 =	vadd.s32 $0xFFFFFFFF, v10;
	v5 =	vmovc v7;
	v7 =	vmovc v9;
	v13 =	vmax.f32 v13, $0.0e+00;
	v18 =	vadd.s32 $0x1, v18  }
0xc0: {  	vm4 =	vgt.s32 v29, $0x0;
	v9 =	vmovc v32;
	v27 =	vshrl.u32 v18, $0x1;
	vm3 =	vlt.f32 v15, v5;
	v18 =	vld.idx.msk [tilespmem:v31+s3+$0x0], $0xffff  }
0xc1: {  	v19 =	vsel vm3, v26, v24;
	v20 =	vsel vm3, v25, v28;
	v24 =	vnsel vm4, $0x0, v29  }
0xc2: {  	v13 =	vmin.f32 v13, $1.000000000e+00;
	v25 =	vand.u32 $0x7FFFFFFF, v22;
	v15 =	vadd.s32 v20, v19  }
0xc3: {  	v22 =	vshrl.u32 v15, $0x1;
	v26 =	vsub.f32 v16, v8;
	v15 =	vsel vm2, $0x7DB48E52, v25;
	v32 =	vld.idx.msk [tilespmem:v14+s3+$0x0], $0xffff  }
0xc4: {  	vm2 =	vle.f32 v15, v35;
	vm3 =	vlt.f32 v15, v35;
	v15 =	vcvt.s32.f32 v11;
	v11 =	vmovc v29  }
.Ltmp0:
0xc5: {  	vm0 =	vmand vm0, vm3;
	vm1 =	vmand vm1, vm2;
	v30 =	vld.idx.msk [tilespmem:v27+s3+$0x0], $0xffff;
	(pc) =	sbr.rel @p0 .LBB2_2-.Ltmp0, $4  }
0xc6: {  	v25 =	vadd.s32 $0x1, v31;
	vm2 =	vlt.f32 v18, v7;
	vm0 =	vmor vm1, vm0;
	v18 =	vld.idx.msk [tilespmem:v24+s3+$0x0], $0xffff  }
0xc7: {  	v24 =	vsel vm2, v25, v17;
	v25 =	vsel vm2, v37, v31;
	v13 =	vsel vm0, v36, v13  }
0xc8: {  	v28 =	vadd.s32 v25, v24;
	v17 =	vsub.f32 $1.000000000e+00, v13;
	v13 =	vmul.f32 v33, v13;
	v29 =	vld.idx.msk [tilespmem:v22+s3+$0x0], $0xffff  }
0xc9: {  	vm1 =	vlt.u32 v10, $0x3E8;
	v28 =	vshrl.u32 v28, $0x1;
	vm0 =	vlt.f32 v32, v6  }
0xca: {  	vm2 =	vlt.f32 v30, v9;
	v35 =	vadd.s32 $0x1, v27  }
0xcb: {  	v23 =	vsel vm2, v35, v23;
	v21 =	vsel vm2, v21, v27  }
0xcc: {  	v27 =	vxor.u32 v21, v23  }
0xcd: {  	v30 =	vand.u32 v21, v23;
	v27 =	vshrl.u32 v27, $0x1  }
0xce: {  	v27 =	vadd.s32 v27, v30;
	_ =	sdelay $0x4  }
0xcf: {  	v30 =	vld.idx.msk [tilespmem:v27+s3+$0x0], $0xffff;
	_ =	sdelay $0x4  }
0xd0: {  	v36 =	vadd.s32 $0x1, v27;
	vm5 =	vlt.f32 v30, v9  }
0xd1: {  	v23 =	vsel vm5, v36, v23;
	v21 =	vsel vm5, v21, v27  }
0xd2: {  	v27 =	vadd.s32 v21, v23  }
0xd3: {  	v27 =	vshrl.u32 v27, $0x1;
	_ =	sdelay $0x4  }
0xd4: {  	v37 =	vld.idx.msk [tilespmem:v27+s3+$0x0], $0xffff;
	_ =	sdelay $0x4  }
0xd5: {  	v38 =	vadd.s32 $0x1, v27;
	vm6 =	vlt.f32 v37, v9  }
0xd6: {  	v23 =	vsel vm6, v38, v23;
	v21 =	vsel vm6, v21, v27  }
0xd7: {  	v31 =	vld.idx.msk [tilespmem:v28+s3+$0x0], $0xffff;
	v27 =	vadd.s32 v21, v23  }
0xd8: {  	v27 =	vshrl.u32 v27, $0x1;
	_ =	sdelay $0x3  }
0xd9: {  	v39 =	vadd.s32 $0x1, v28;
	vm7 =	vlt.f32 v31, v7  }
0xda: {  	v24 =	vsel vm7, v39, v24;
	v25 =	vsel vm7, v25, v28;
	v40 =	vld.idx.msk [tilespmem:v27+s3+$0x0], $0xffff  }
0xdb: {  	v28 =	vadd.s32 v25, v24  }
0xdc: {  	v28 =	vshrl.u32 v28, $0x1;
	_ =	sdelay $0x2  }
0xdd: {  	v41 =	vadd.s32 $0x1, v27;
	vm8 =	vlt.f32 v40, v9  }
0xde: {  	v23 =	vsel vm8, v41, v23;
	v21 =	vsel vm8, v21, v27  }
0xdf: {  	v42 =	vld.idx.msk [tilespmem:v28+s3+$0x0], $0xffff;
	v27 =	vadd.s32 v21, v23  }
0xe0: {  	v27 =	vshrl.u32 v27, $0x1  }
0xe1: {  	v43 =	vadd.s32 $0x1, v22;
	v45 =	vsub.f32 v8, v18  }
0xe2: {  	vm3 =	veq.s32 v10, $0x0;
	v44 =	vnsel vm1, $0x7DB48E52, v26;
	vm9 =	vlt.f32 v29, v5  }
0xe3: {  	v26 =	vsel vm3, $0x7DB48E52, v45;
	v19 =	vsel vm9, v43, v19;
	v20 =	vsel vm9, v20, v22  }
0xe4: {  	v46 =	vadd.s32 v20, v19;
	v47 =	vadd.s32 $0x1, v28;
	vm10 =	vlt.f32 v42, v7  }
0xe5: {  	v29 =	vshrl.u32 v46, $0x1;
	v24 =	vsel vm10, v47, v24;
	v25 =	vsel vm10, v25, v28;
	v48 =	vld.idx.msk [tilespmem:v27+s3+$0x0], $0xffff  }
0xe6: {  	vm1 =	vle.f32 v26, v44;
	v28 =	vadd.s32 v25, v24  }
0xe7: {  	v16 =	vsub.f32 v18, v16;
	v49 =	vsel vm1, $0xFFFFFFFE, v3;
	v28 =	vshrl.u32 v28, $0x1  }
0xe8: {  	v31 =	vadd.s32 v10, v49  }
0xe9: {  	(erf) = vrcp.f32 v16;
	vm11 =	vgt.s32 v31, $0x0  }
0xea: {  	v50 =	vnsel vm11, $0x0, v31;
	v32 =	vld.idx.msk [tilespmem:v29+s3+$0x0], $0xffff;
	v51 =	vadd.s32 $0x1, v27;
	vm12 =	vlt.f32 v48, v9  }
0xeb: {  	v31 =	vsel vm0, v12, v14;
	v14 =	vsel vm12, v51, v23;
	v21 =	vsel vm12, v21, v27  }
0xec: {  	v11 =	vcvt.s32.f32 v11;
	v15 =	vmul.f32 v15, v17;
	v52 =	vld.idx.msk [tilespmem:v28+s3+$0x0], $0xffff;
	v27 =	vadd.s32 v21, v14  }
0xed: {  	v55 =	vsub.f32 v18, v8;
	v12 =	vadd.s32 $0xFFFFFFFF, v31;
	v27 =	vshrl.u32 v27, $0x1  }
0xee: {  	v13 =	vadd.f32 v15, v13;
	v22 =	vsel vm1, v44, v26;
	vm13 =	vgt.s32 v12, $0x0  }
0xef: {  	v54 =	vadd.s32 $0x1, v29;
	v53 =	vnsel vm13, $0x0, v12;
	vm14 =	vlt.f32 v32, v5  }
0xf0: {  	v43 =	vsel vm1, $0x0, v4;
	v16 =	vld.idx.msk [tilespmem:v50+s3+$0x0], $0xffff;
	v19 =	vsel vm14, v54, v19;
	v20 =	vsel vm14, v20, v29  }
0xf1: {  	v56 =	vld.idx.msk [tilespmem:v31+s3+$0x0], $0xffff;
	v19 =	vadd.s32 v20, v19;
	v57 =	vadd.s32 $0x1, v28;
	vm15 =	vlt.f32 v52, v7  }
0xf2: {  	v59 =	vpop (erf);
	v19 =	vshrl.u32 v19, $0x1;
	v24 =	vsel vm15, v57, v24;
	v25 =	vsel vm15, v25, v28;
	v58 =	vld.idx.msk [tilespmem:v27+s3+$0x0], $0xffff  }
0xf3: {  	vm7 =	vlt.u32 v10, $0x2;
	v18 =	vmul.f32 v59, v55;
	v28 =	vadd.s32 v25, v24  }
0xf4: {  	v46 =	vcvt.s32.f32 v10;
	vm0 =	vmand vm1, vm7;
	v28 =	vshrl.u32 v28, $0x1;
	v23 =	vld.idx.msk [tilespmem:v53+s3+$0x0], $0xffff  }
0xf5: {  	vm9 =	vlt.u32 v31, $0x3E8;
	vm4 =	veq.s32 v31, $0x0;
	v18 =	vmax.f32 v18, $0.0e+00  }
0xf6: {  	v12 =	vcvt.s32.f32 v12;
	v18 =	vmin.f32 v18, $1.000000000e+00;
	v60 =	vsub.f32 v16, v8  }
0xf7: {  	v62 =	vsub.f32 v56, v6;
	v61 =	vld.idx.msk [tilespmem:v19+s3+$0x0], $0xffff;
	v36 =	vadd.s32 $0x1, v27;
	vm10 =	vlt.f32 v58, v9  }
0xf8: {  	vm6 =	vgt.u32 v10, $0x3E6;
	v30 =	vsel vm10, v36, v14;
	v21 =	vsel vm10, v21, v27  }
0xf9: {  	v37 =	vld.idx.msk [tilespmem:v28+s3+$0x0], $0xffff;
	vm8 =	vmneg vm1;
	v63 =	vsub.f32 v6, v23;
	v39 =	vadd.s32 v21, v30  }
0xfa: {  	v26 =	vnsel vm9, $0x7DB48E52, v62;
	vm3 =	vmand vm8, vm6;
	v16 =	vshrl.u32 v39, $0x1  }
0xfb: {  	v8 =	vand.u32 $0x7FFFFFFF, v60;
	vm0 =	vmor vm0, vm3;
	v32 =	vsel vm4, $0x7DB48E52, v63  }
0xfc: {  	vm11 =	vlt.f32 v61, v5;
	v33 =	vsel vm0, $0x7DB48E52, v8;
	vm0 =	vle.f32 v32, v26  }
0xfd: {  	v42 =	vadd.s32 $0x1, v28;
	v8 =	vsel vm11, v20, v19;
	v38 =	vsel vm0, $0xFFFFFFFE, v3  }
0xfe: {  	vm14 =	vlt.f32 v37, v7;
	vm15 =	vle.f32 v33, v22;
	v40 =	vadd.s32 v31, v38  }
0xff: {  	v44 =	vsel vm14, v25, v28;
	vm13 =	vgt.s32 v40, $0x0;
	v14 =	vsel vm14, v42, v24;
	v45 =	vld.idx.msk [tilespmem:v16+s3+$0x0], $0xffff  }
0x100: {  	v41 =	vnsel vm13, $0x0, v40;
	v24 =	vadd.s32 v44, v14;
	v14 =	vadd.s32 $0xFFFFFFFF, v8  }
0x101: {  	vm12 =	vlt.f32 v33, v22;
	v24 =	vshrl.u32 v24, $0x1;
	vm6 =	vgt.s32 v14, $0x0  }
0x102: {  	vm1 =	vmand vm1, vm15;
	v51 =	vld.idx.msk [tilespmem:v8+s3+$0x0], $0xffff;
	vm2 =	vmand vm8, vm12;
	v47 =	vnsel vm6, $0x0, v14  }
0x103: {  	vm9 =	vlt.u32 v31, $0x2;
	vm8 =	vgt.u32 v31, $0x3E6;
	vm1 =	vmor vm1, vm2  }
0x104: {  	v18 =	vsel vm1, v43, v18;
	v52 =	vadd.s32 $0x1, v16;
	vm7 =	vlt.f32 v45, v9  }
0x105: {  	v48 =	vsub.f32 $1.000000000e+00, v18;
	v50 =	vld.idx.msk [tilespmem:v41+s3+$0x0], $0xffff;
	v25 =	vsel vm7, v52, v30;
	v16 =	vsel vm7, v21, v16  }
0x106: {  	v10 =	vmul.f32 v46, v18;
	v49 =	vsub.f32 v23, v56;
	v53 =	vld.idx.msk [tilespmem:v24+s3+$0x0], $0xffff;
	v55 =	vadd.s32 v16, v25  }
0x107: {  	v54 =	vsub.f32 v23, v6;
	v60 =	vsub.f32 v51, v5;
	v20 =	vld.idx.msk [tilespmem:v47+s3+$0x0], $0xffff;
	v23 =	vshrl.u32 v55, $0x1  }
0x108: {  	vm12 =	vlt.u32 v8, $0x3E8;
	v56 =	vcvt.s32.f32 v31;
	v11 =	vmul.f32 v11, v48  }
0x109: {  	(erf) = vrcp.f32 v49;
	v17 =	vnsel vm12, $0x7DB48E52, v60;
	vm12 =	vgt.u32 v8, $0x3E6  }
0x10a: {  	v10 =	vadd.f32 v11, v10;
	vm2 =	vmand vm0, vm9;
	v57 =	vsel vm0, v26, v32  }
0x10b: {  	vm13 =	veq.s32 v8, $0x0;
	vm10 =	vmneg vm0;
	v6 =	vsub.f32 v50, v6  }
0x10c: {  	vm1 =	vmand vm10, vm8;
	vm11 =	vlt.f32 v53, v7;
	v61 =	vsub.f32 v5, v20;
	v62 =	vld.idx.msk [tilespmem:v23+s3+$0x0], $0xffff  }
0x10d: {  	vm1 =	vmor vm2, vm1;
	v59 =	vand.u32 $0x7FFFFFFF, v6;
	v22 =	vsel vm11, v44, v24  }
0x10e: {  	v27 =	vsel vm1, $0x7DB48E52, v59;
	v6 =	vadd.s32 $0xFFFFFFFF, v22;
	v28 =	vsel vm13, $0x7DB48E52, v61  }
0x10f: {  	vm15 =	vlt.f32 v27, v57;
	vm14 =	vgt.s32 v6, $0x0;
	vm1 =	vle.f32 v28, v17  }
0x110: {  	v19 =	vsub.f32 v20, v51;
	v33 =	vnsel vm14, $0x0, v6;
	v34 =	vsel vm1, $0xFFFFFFFE, v3  }
0x111: {  	vm2 =	vmand vm10, vm15;
	v35 =	vadd.s32 v8, v34;
	vm10 =	vlt.f32 v62, v9  }
0x112: {  	v58 =	vsel vm0, $0x0, v4;
	vm9 =	vgt.s32 v35, $0x0;
	v16 =	vsel vm10, v16, v23  }
0x113: {  	v63 =	vpop (erf);
	(erf) = vrcp.f32 v19;
	v18 =	vnsel vm9, $0x0, v35;
	v38 =	vadd.s32 $0xFFFFFFFF, v16  }
0x114: {  	v14 =	vcvt.s32.f32 v14;
	v21 =	vmul.f32 v63, v54;
	v36 =	vld.idx.msk [tilespmem:v22+s3+$0x0], $0xffff;
	vm11 =	vgt.s32 v38, $0x0  }
0x115: {  	vm8 =	vle.f32 v27, v57;
	v41 =	vsub.f32 v20, v5;
	v37 =	vld.idx.msk [tilespmem:v33+s3+$0x0], $0xffff;
	v39 =	vnsel vm11, $0x0, v38  }
0x116: {  	vm0 =	vmand vm0, vm8;
	vm15 =	veq.s32 v22, $0x0;
	v54 =	vcvt.s32.f32 v22  }
0x117: {  	v21 =	vmax.f32 v21, $0.0e+00;
	vm0 =	vmor vm0, vm2;
	vm13 =	vlt.u32 v8, $0x2  }
0x118: {  	v21 =	vmin.f32 v21, $1.000000000e+00;
	vm14 =	vlt.u32 v22, $0x3E8;
	v6 =	vcvt.s32.f32 v6;
	v18 =	vld.idx.msk [tilespmem:v18+s3+$0x0], $0xffff  }
0x119: {  	v21 =	vsel vm0, v58, v21;
	vm5 =	vmand vm1, vm13;
	v17 =	vsel vm1, v17, v28;
	v44 =	vld.idx.msk [tilespmem:v16+s3+$0x0], $0xffff  }
0x11a: {  	vm8 =	vmneg vm1;
	v42 =	vsub.f32 v36, v7;
	v43 =	vsub.f32 v7, v37;
	v45 =	vld.idx.msk [tilespmem:v39+s3+$0x0], $0xffff  }
0x11b: {  	v47 =	vsel vm1, $0x0, v4;
	v26 =	vsub.f32 $1.000000000e+00, v21;
	v40 =	vmul.f32 v56, v21  }
0x11c: {  	vm0 =	vmand vm8, vm12;
	v49 =	vpop (erf);
	v19 =	vnsel vm14, $0x7DB48E52, v42;
	v20 =	vsel vm15, $0x7DB48E52, v43  }
0x11d: {  	vm0 =	vmor vm5, vm0;
	v15 =	vmul.f32 v49, v41;
	vm2 =	vle.f32 v20, v19  }
0x11e: {  	vm10 =	vlt.u32 v16, $0x3E8;
	v5 =	vsub.f32 v18, v5;
	v46 =	vsel vm2, $0xFFFFFFFE, v3  }
0x11f: {  	v18 =	vadd.s32 v22, v46;
	v48 =	vsub.f32 v44, v9;
	v29 =	vsub.f32 v9, v45  }
0x120: {  	vm11 =	veq.s32 v16, $0x0;
	v5 =	vand.u32 $0x7FFFFFFF, v5;
	vm9 =	vgt.s32 v18, $0x0  }
0x121: {  	v18 =	vnsel vm9, $0x0, v18;
	v28 =	vnsel vm10, $0x7DB48E52, v48;
	v29 =	vsel vm11, $0x7DB48E52, v29  }
0x122: {  	v24 =	vsub.f32 v37, v36;
	v5 =	vsel vm0, $0x7DB48E52, v5;
	vm0 =	vle.f32 v29, v28  }
0x123: {  	vm12 =	vlt.f32 v5, v17;
	vm13 =	vle.f32 v5, v17;
	v5 =	vsel vm0, $0xFFFFFFFE, v3  }
0x124: {  	v8 =	vcvt.s32.f32 v8;
	v12 =	vmul.f32 v12, v26;
	v5 =	vadd.s32 v16, v5  }
0x125: {  	v15 =	vmax.f32 v15, $0.0e+00;
	(erf) = vrcp.f32 v24;
	vm14 =	vgt.s32 v5, $0x0  }
0x126: {  	v15 =	vmin.f32 v15, $1.000000000e+00;
	vm15 =	vgt.u32 v22, $0x3E6;
	v50 =	vld.idx.msk [tilespmem:v18+s3+$0x0], $0xffff;
	v5 =	vnsel vm14, $0x0, v5  }
0x127: {  	v19 =	vsel vm2, v19, v20;
	v55 =	vsel vm2, $0x0, v4;
	v21 =	vsub.f32 v45, v44  }
0x128: {  	vm9 =	vmneg vm2;
	vm3 =	vmand vm8, vm12;
	vm1 =	vmand vm1, vm13  }
0x129: {  	vm8 =	vlt.u32 v22, $0x2;
	vm1 =	vmor vm1, vm3;
	(erf) = vrcp.f32 v21  }
0x12a: {  	vm12 =	vlt.u32 v16, $0x2;
	vm3 =	vmand vm2, vm8;
	v15 =	vsel vm1, v47, v15  }
0x12b: {  	vm1 =	vmand vm9, vm15;
	v51 =	vsub.f32 $1.000000000e+00, v15;
	v52 =	vsub.f32 v50, v7;
	v5 =	vld.idx.msk [tilespmem:v5+s3+$0x0], $0xffff  }
0x12c: {  	v8 =	vmul.f32 v8, v15;
	vm1 =	vmor vm3, vm1;
	v56 =	vsub.f32 v45, v9  }
0x12d: {  	vm11 =	vgt.u32 v16, $0x3E6;
	v7 =	vsub.f32 v37, v7;
	v15 =	vand.u32 $0x7FFFFFFF, v52  }
0x12e: {  	v53 =	vpop (erf);
	vm13 =	vmneg vm0;
	v58 =	vsel vm0, v28, v29;
	v15 =	vsel vm1, $0x7DB48E52, v15  }
0x12f: {  	v7 =	vmul.f32 v53, v7;
	vm1 =	vle.f32 v15, v19;
	vm10 =	vlt.f32 v15, v19  }
0x130: {  	vm3 =	vmand vm9, vm10;
	vm1 =	vmand vm2, vm1;
	v5 =	vsub.f32 v5, v9  }
0x131: {  	vm2 =	vmand vm13, vm11;
	vm1 =	vmor vm1, vm3;
	vm3 =	vmand vm0, vm12  }
0x132: {  	v7 =	vmax.f32 v7, $0.0e+00;
	vm2 =	vmor vm3, vm2;
	v57 =	vpop (erf);
	v5 =	vand.u32 $0x7FFFFFFF, v5  }
0x133: {  	v7 =	vmin.f32 v7, $1.000000000e+00;
	v9 =	vmul.f32 v57, v56;
	v5 =	vsel vm2, $0x7DB48E52, v5  }
0x134: {  	v7 =	vsel vm1, v55, v7;
	vm14 =	vle.f32 v5, v58;
	vm2 =	vlt.f32 v5, v58  }
0x135: {  	v5 =	vmax.f32 v9, $0.0e+00;
	vm2 =	vmand vm13, vm2;
	vm1 =	vmand vm0, vm14  }
0x136: {  	v59 =	vsel vm0, $0x0, v4;
	v5 =	vmin.f32 v5, $1.000000000e+00;
	vm15 =	vmor vm1, vm2  }
0x137: {  	v60 =	vcvt.s32.f32 v16;
	v15 =	vsub.f32 $1.000000000e+00, v7;
	v5 =	vsel vm15, v59, v5  }
0x138: {  	v61 =	vcvt.s32.f32 v38;
	v14 =	vmul.f32 v14, v51;
	v62 =	vsub.f32 $1.000000000e+00, v5  }
0x139: {  	[tilespmem:s13+$0xC00] =	vst v13;
	v11 =	vadd.f32 v12, v40;
	v7 =	vmul.f32 v54, v7;
	v6 =	vmul.f32 v6, v15  }
0x13a: {  	[tilespmem:s14+$0xC00] =	vst v10;
	v8 =	vadd.f32 v14, v8;
	v5 =	vmul.f32 v60, v5;
	v63 =	vmul.f32 v61, v62  }
0x13b: {  	[tilespmem:s15+$0xC00] =	vst v11;
	v6 =	vadd.f32 v6, v7  }
0x13c: {  	s12 =	sadd.s32 $0x1, s12;
	[tilespmem:s16+$0xC00] =	vst v8;
	v5 =	vadd.f32 v63, v5  }
0x13d: {  	p0 =	sne.s32 s12, s6;
	[tilespmem:s17+$0xC00] =	vst v6  }
.Ltmp1:
0x13e: {  	[tilespmem:s18+$0xC00] =	vst v5;
	(pc) =	sbr.rel @p0 .LBB2_1-.Ltmp1, $4  }
0x13f: {  	[hbm4b:s5+s3] =	stream.linear.scatter [tilespmem:s10], [sflag:$0x3], $0x800, $0x38;
	[tilespmem:$0x1400] =	vst v63  }
0x140: {  	_ =	swait.ge [sflag:s11], $0x800  }
0x141: {  	[sflag:s11] =	ssyncset.done $0x0  }
0x142: {  	[sflag:s11] =	ssyncadd.s32 $0xFFFFF800  }
0x143: {  	_ =	sfence.sel $0x180000  }
0x144: {  	[bflag:$0x0] =	sbarrier.arrive $0xFFFF  }
0x145: {  	p0 =	sne.s32 s2, $0x0;
	_ =	strace $0x90000047  }
0x146: {  	s0 =	sadd.s32 @!p0 $0x100000, s0;
	[bflag:$0x2] =	sbarrier.arrive $0xFFFF  }
0x147: {  	[sflag:s0] =	ssyncadd.tile.s32 @!p0 $0x1;
	_ =	shalt  }
.Lfunc_end2:
_tile_overlayer_lowered:
.L_overlay_start_2:
0x148: {  	(tag) =	ssettag $0x2  }
0x149: {  	s0 =	rddreg [dreg:$0x0];
	s2 =	stileid.u32  }
0x14a: {  	s1 =	rddreg [dreg:$0x1];
	p0 =	sne.s32 s2, $0x0  }
0x14b: {  	s3 =	rddreg [dreg:$0x2];
	[bflag:$0x3] =	sbarrier.arrive $0xFFFF;
	s2 =	simm.s32 @!p0 $0x1C03  }
0x14c: {  	[timem:s3], [sflag:s2] =	dma.local @!p0 [hbm:s0], s1  }
0x14d: {  	s0 =	simm.s32 @!p0 $0x3  }
0x14e: {  	_ =	swait.ge @!p0 [sflag:s0], s1  }
0x14f: {  	s1 =	ssub.s32 @!p0 $0x0, s1;
	[sflag:s0] =	ssyncset.done @!p0 $0x0  }
0x150: {  	[sflag:s0] =	ssyncadd.s32 @!p0 s1  }
0x151: {  	[bflag:$0x3] =	sbarrier.arrive $0xFFFF  }
0x152: {  	_ =	shalt  }

</sc_bundles>
